<compile_context>
chip_gen: v7x
topology: tpu7x:2x2x1
jax: 0.10.2.dev20260603
libtpu: 0.0.44.dev20260713+nightly
codegen_flags: <defaults>
</compile_context>

<pallas_src>
import dataclasses
import functools

import jax
import jax.numpy as jnp
from jax import lax
from jax.experimental import pallas as pl
from jax.experimental.pallas import tpu as pltpu
from jax.experimental.pallas import tpu_sc as plsc

VOCAB = 100000
REPL_IDX = 1
NUM_CORES = 2
NUM_SUBCORES = 16
NUM_WORKERS = NUM_CORES * NUM_SUBCORES
LANES = 16
TILE_R = 8
ITEM_C = 512


def _token_dropout_body(idx_hbm, freq_hbm, u_hbm, out_hbm,
                        freq_v, freq_sp, sem, n_tr, n_cc):
    sid = lax.axis_index("s")
    seg = 4000
    nseg = VOCAB // seg
    s0 = pl.ds(sid * seg, seg)
    pltpu.sync_copy(freq_hbm.at[s0], freq_v.at[s0])
    pltpu.sync_copy(freq_v.at[s0], freq_sp.at[s0])

    @pl.when(sid + NUM_SUBCORES < nseg)
    def _():
        s1 = pl.ds((sid + NUM_SUBCORES) * seg, seg)
        pltpu.sync_copy(freq_hbm.at[s1], freq_v.at[s1])
        pltpu.sync_copy(freq_v.at[s1], freq_sp.at[s1])

    plsc.subcore_barrier()
    pltpu.async_copy(freq_sp, freq_v, sem).wait()

    def block_body(idx_v, u_v, res_v):
        @pl.loop(0, TILE_R)
        def _(r):
            @plsc.parallel_loop(0, ITEM_C, step=LANES, unroll=8)
            def _(c):
                sl = (r, pl.ds(c, LANES))
                iv = idx_v[sl]
                g = plsc.load_gather(freq_v, [iv])
                uv = u_v[sl]
                res_v[sl] = jnp.where(uv < g, jnp.int32(REPL_IDX), iv)

    blk = pl.BlockSpec((TILE_R, ITEM_C), index_map=lambda i, j: (i, j))
    pltpu.emit_pipeline(
        block_body,
        grid=(n_tr, n_cc),
        in_specs=[blk, blk],
        out_specs=[blk],
        core_axis_name=("c", "s"),
        dimension_semantics=(pltpu.PARALLEL, pltpu.PARALLEL),
    )(idx_hbm, u_hbm, out_hbm)


def kernel(indices, freq, u):
    rows, cols = indices.shape
    rt, ct = cols, rows
    assert rt % TILE_R == 0 and ct % ITEM_C == 0
    n_tr, n_cc = rt // TILE_R, ct // ITEM_C

    mesh = plsc.VectorSubcoreMesh(core_axis_name="c", subcore_axis_name="s")
    body = functools.partial(_token_dropout_body, n_tr=n_tr, n_cc=n_cc)
    cp = pltpu.CompilerParams(use_tc_tiling_on_sc=True)
    if "needs_layout_passes" in pltpu.CompilerParams.__dataclass_fields__:
        cp = dataclasses.replace(cp, needs_layout_passes=False)
    run = pl.kernel(
        body,
        out_type=jax.ShapeDtypeStruct((rt, ct), jnp.int32),
        mesh=mesh,
        compiler_params=cp,
        scratch_types=[
            pltpu.VMEM((VOCAB,), jnp.float32),
            pltpu.VMEM_SHARED((VOCAB,), jnp.float32),
            pltpu.SemaphoreType.DMA,
        ],
    )
    return run(indices.T, freq, u.T).T

# --- scband reference (transcript-rebuilt; emitter-appended) ---
"""Pipeline reference for scband-token-dropout-26302379720977 (READ-ONLY COPY).

The authoritative reference and input builder live on the scoring server;
editing this copy changes nothing except your own understanding.
"""

import jax, jax.numpy as jnp
import numpy as np

VOCAB = 100000
BATCH = 16384
HIST = 200
N_SPECIAL = 4
REPL_IDX = 1


def setup_inputs(seed: int = 0) -> dict:
    key = jax.random.key(seed)
    k1, k2, k3 = jax.random.split(key, 3)
    indices = jax.random.randint(k1, (BATCH, HIST), 0, VOCAB)
    # TokenDropout.__init__: freq = 1 / (1 + token_count); special tokens -> 0.0
    counts = jax.random.randint(k2, (VOCAB,), 1, 1_000_000).astype(jnp.float32)
    freq = 1.0 / (1.0 + counts)
    freq = freq.at[:N_SPECIAL].set(0.0)
    # torch.rand_like(indices, dtype=float32) materialized for determinism
    u = jax.random.uniform(k3, (BATCH, HIST), dtype=jnp.float32)
    return {"indices": indices, "freq": freq, "u": u}


def reference(indices, freq, u):
    # mask = rand < freq[indices]; masked_fill(indices, mask, repl_idx)
    gathered = jnp.take(freq, indices, axis=0)
    mask = u < gathered
    return jnp.where(mask, jnp.asarray(REPL_IDX, dtype=indices.dtype), indices)

if __name__ == "__main__":
    import jax
    _d = setup_inputs()
    print(jax.jit(kernel)(*tuple(_d.values())))

</pallas_src>

<mosaic_0001>
#map = affine_map<(d0, d1) -> (0, 0)>
#map1 = affine_map<(d0, d1) -> (0)>
module attributes {stable_mosaic.version = 14 : i64} {
  func.func @_token_dropout_body(%arg0: i32, %arg1: i32, %arg2: memref<200x16384xi32, #tpu.memory_space<hbm>>, %arg3: memref<100000xf32, #tpu.memory_space<hbm>>, %arg4: memref<200x16384xf32, #tpu.memory_space<hbm>>, %arg5: memref<200x16384xi32, #tpu.memory_space<hbm>>, %arg6: memref<100000xf32, #tpu.memory_space<vmem>>, %arg7: memref<100000xf32, #tpu.memory_space<vmem_shared>>, %arg8: memref<!tpu.dma_semaphore, #tpu.memory_space<semaphore_mem>>) attributes {dimension_semantics = [#tpu.dimension_semantics<core_parallel>, #tpu.dimension_semantics<subcore_parallel>], iteration_bounds = array<i64: 2, 16>, scalar_prefetch = 0 : i64, scratch_operands = 3 : i64, tpu.core_type = #tpu.core_type<sc_vector_subcore>, window_params = [{transform_indices = #map}, {transform_indices = #map1}, {transform_indices = #map}, {transform_indices = #map}]} {
    %mul3A = arith.constant 4000 : i32
    %mul3A_0 = arith.muli %arg1, %mul3A : i32
    "tpu.region"() ({
      %run_scoped3A = tpu.sem_alloc : memref<!tpu.dma_semaphore, #tpu.memory_space<semaphore_mem>>
      %dma_start3A = tpu.memref_slice %arg6[%mul3A_0] : memref<100000xf32, #tpu.memory_space<vmem>> -> memref<4000xf32, #tpu.memory_space<vmem>>
      %dma_start3A_13 = tpu.memref_slice %arg3[%mul3A_0] : memref<100000xf32, #tpu.memory_space<hbm>> -> memref<4000xf32, #tpu.memory_space<hbm>>
      %dma_start3A_14 = tpu.memref_slice %arg6[%mul3A_0] : memref<100000xf32, #tpu.memory_space<vmem>> -> memref<4000xf32, #tpu.memory_space<vmem>>
      %dma_start3A_15 = tpu.memref_slice %arg3[%mul3A_0] : memref<100000xf32, #tpu.memory_space<hbm>> -> memref<4000xf32, #tpu.memory_space<hbm>>
      tpu.enqueue_dma source(%dma_start3A_15 : memref<4000xf32, #tpu.memory_space<hbm>>) target(%dma_start3A_14 : memref<4000xf32, #tpu.memory_space<vmem>>) target_semaphore(%run_scoped3A : memref<!tpu.dma_semaphore, #tpu.memory_space<semaphore_mem>>)
      %dma_wait3A = tpu.memref_slice %arg6[%mul3A_0] : memref<100000xf32, #tpu.memory_space<vmem>> -> memref<4000xf32, #tpu.memory_space<vmem>>
      %dma_wait3A_16 = tpu.memref_slice %arg3[%mul3A_0] : memref<100000xf32, #tpu.memory_space<hbm>> -> memref<4000xf32, #tpu.memory_space<hbm>>
      %dma_wait3A_17 = tpu.memref_slice %arg6[%mul3A_0] : memref<100000xf32, #tpu.memory_space<vmem>> -> memref<4000xf32, #tpu.memory_space<vmem>>
      %dma_wait3A_18 = tpu.memref_slice %arg3[%mul3A_0] : memref<100000xf32, #tpu.memory_space<hbm>> -> memref<4000xf32, #tpu.memory_space<hbm>>
      tpu.wait_dma2 semaphore(%run_scoped3A : memref<!tpu.dma_semaphore, #tpu.memory_space<semaphore_mem>>) src(%dma_wait3A_18 : memref<4000xf32, #tpu.memory_space<hbm>>) dst(%dma_wait3A_17 : memref<4000xf32, #tpu.memory_space<vmem>>)
      tpu.yield
    }) : () -> ()
    "tpu.region"() ({
      %run_scoped3A = tpu.sem_alloc : memref<!tpu.dma_semaphore, #tpu.memory_space<semaphore_mem>>
      %dma_start3A = tpu.memref_slice %arg6[%mul3A_0] : memref<100000xf32, #tpu.memory_space<vmem>> -> memref<4000xf32, #tpu.memory_space<vmem>>
      %dma_start3A_13 = tpu.memref_slice %arg7[%mul3A_0] : memref<100000xf32, #tpu.memory_space<vmem_shared>> -> memref<4000xf32, #tpu.memory_space<vmem_shared>>
      %dma_start3A_14 = tpu.memref_slice %arg7[%mul3A_0] : memref<100000xf32, #tpu.memory_space<vmem_shared>> -> memref<4000xf32, #tpu.memory_space<vmem_shared>>
      %dma_start3A_15 = tpu.memref_slice %arg6[%mul3A_0] : memref<100000xf32, #tpu.memory_space<vmem>> -> memref<4000xf32, #tpu.memory_space<vmem>>
      tpu.enqueue_dma source(%dma_start3A_15 : memref<4000xf32, #tpu.memory_space<vmem>>) target(%dma_start3A_14 : memref<4000xf32, #tpu.memory_space<vmem_shared>>) target_semaphore(%run_scoped3A : memref<!tpu.dma_semaphore, #tpu.memory_space<semaphore_mem>>)
      %dma_wait3A = tpu.memref_slice %arg6[%mul3A_0] : memref<100000xf32, #tpu.memory_space<vmem>> -> memref<4000xf32, #tpu.memory_space<vmem>>
      %dma_wait3A_16 = tpu.memref_slice %arg7[%mul3A_0] : memref<100000xf32, #tpu.memory_space<vmem_shared>> -> memref<4000xf32, #tpu.memory_space<vmem_shared>>
      %dma_wait3A_17 = tpu.memref_slice %arg7[%mul3A_0] : memref<100000xf32, #tpu.memory_space<vmem_shared>> -> memref<4000xf32, #tpu.memory_space<vmem_shared>>
      %dma_wait3A_18 = tpu.memref_slice %arg6[%mul3A_0] : memref<100000xf32, #tpu.memory_space<vmem>> -> memref<4000xf32, #tpu.memory_space<vmem>>
      tpu.wait_dma2 semaphore(%run_scoped3A : memref<!tpu.dma_semaphore, #tpu.memory_space<semaphore_mem>>) src(%dma_wait3A_18 : memref<4000xf32, #tpu.memory_space<vmem>>) dst(%dma_wait3A_17 : memref<4000xf32, #tpu.memory_space<vmem_shared>>)
      tpu.yield
    }) : () -> ()
    %add3A = arith.constant 16 : i32
    %add3A_1 = arith.addi %arg1, %add3A : i32
    %lt3A = arith.constant 25 : i32
    %lt3A_2 = arith.cmpi slt, %add3A_1, %lt3A : i32
    %convert_element_type3A = arith.extui %lt3A_2 : i1 to i32
    %cond3A = arith.constant 0 : i32
    %cond3A_3 = arith.cmpi ne, %convert_element_type3A, %cond3A : i32
    scf.if %cond3A_3 {
      %add3A_13 = arith.constant 16 : i32
      %add3A_14 = arith.addi %arg1, %add3A_13 : i32
      %mul3A_15 = arith.constant 4000 : i32
      %mul3A_16 = arith.muli %add3A_14, %mul3A_15 : i32
      "tpu.region"() ({
        %run_scoped3A = tpu.sem_alloc : memref<!tpu.dma_semaphore, #tpu.memory_space<semaphore_mem>>
        %dma_start3A = tpu.memref_slice %arg6[%mul3A_16] : memref<100000xf32, #tpu.memory_space<vmem>> -> memref<4000xf32, #tpu.memory_space<vmem>>
        %dma_start3A_17 = tpu.memref_slice %arg3[%mul3A_16] : memref<100000xf32, #tpu.memory_space<hbm>> -> memref<4000xf32, #tpu.memory_space<hbm>>
        %dma_start3A_18 = tpu.memref_slice %arg6[%mul3A_16] : memref<100000xf32, #tpu.memory_space<vmem>> -> memref<4000xf32, #tpu.memory_space<vmem>>
        %dma_start3A_19 = tpu.memref_slice %arg3[%mul3A_16] : memref<100000xf32, #tpu.memory_space<hbm>> -> memref<4000xf32, #tpu.memory_space<hbm>>
        tpu.enqueue_dma source(%dma_start3A_19 : memref<4000xf32, #tpu.memory_space<hbm>>) target(%dma_start3A_18 : memref<4000xf32, #tpu.memory_space<vmem>>) target_semaphore(%run_scoped3A : memref<!tpu.dma_semaphore, #tpu.memory_space<semaphore_mem>>)
        %dma_wait3A = tpu.memref_slice %arg6[%mul3A_16] : memref<100000xf32, #tpu.memory_space<vmem>> -> memref<4000xf32, #tpu.memory_space<vmem>>
        %dma_wait3A_20 = tpu.memref_slice %arg3[%mul3A_16] : memref<100000xf32, #tpu.memory_space<hbm>> -> memref<4000xf32, #tpu.memory_space<hbm>>
        %dma_wait3A_21 = tpu.memref_slice %arg6[%mul3A_16] : memref<100000xf32, #tpu.memory_space<vmem>> -> memref<4000xf32, #tpu.memory_space<vmem>>
        %dma_wait3A_22 = tpu.memref_slice %arg3[%mul3A_16] : memref<100000xf32, #tpu.memory_space<hbm>> -> memref<4000xf32, #tpu.memory_space<hbm>>
        tpu.wait_dma2 semaphore(%run_scoped3A : memref<!tpu.dma_semaphore, #tpu.memory_space<semaphore_mem>>) src(%dma_wait3A_22 : memref<4000xf32, #tpu.memory_space<hbm>>) dst(%dma_wait3A_21 : memref<4000xf32, #tpu.memory_space<vmem>>)
        tpu.yield
      }) : () -> ()
      "tpu.region"() ({
        %run_scoped3A = tpu.sem_alloc : memref<!tpu.dma_semaphore, #tpu.memory_space<semaphore_mem>>
        %dma_start3A = tpu.memref_slice %arg6[%mul3A_16] : memref<100000xf32, #tpu.memory_space<vmem>> -> memref<4000xf32, #tpu.memory_space<vmem>>
        %dma_start3A_17 = tpu.memref_slice %arg7[%mul3A_16] : memref<100000xf32, #tpu.memory_space<vmem_shared>> -> memref<4000xf32, #tpu.memory_space<vmem_shared>>
        %dma_start3A_18 = tpu.memref_slice %arg7[%mul3A_16] : memref<100000xf32, #tpu.memory_space<vmem_shared>> -> memref<4000xf32, #tpu.memory_space<vmem_shared>>
        %dma_start3A_19 = tpu.memref_slice %arg6[%mul3A_16] : memref<100000xf32, #tpu.memory_space<vmem>> -> memref<4000xf32, #tpu.memory_space<vmem>>
        tpu.enqueue_dma source(%dma_start3A_19 : memref<4000xf32, #tpu.memory_space<vmem>>) target(%dma_start3A_18 : memref<4000xf32, #tpu.memory_space<vmem_shared>>) target_semaphore(%run_scoped3A : memref<!tpu.dma_semaphore, #tpu.memory_space<semaphore_mem>>)
        %dma_wait3A = tpu.memref_slice %arg6[%mul3A_16] : memref<100000xf32, #tpu.memory_space<vmem>> -> memref<4000xf32, #tpu.memory_space<vmem>>
        %dma_wait3A_20 = tpu.memref_slice %arg7[%mul3A_16] : memref<100000xf32, #tpu.memory_space<vmem_shared>> -> memref<4000xf32, #tpu.memory_space<vmem_shared>>
        %dma_wait3A_21 = tpu.memref_slice %arg7[%mul3A_16] : memref<100000xf32, #tpu.memory_space<vmem_shared>> -> memref<4000xf32, #tpu.memory_space<vmem_shared>>
        %dma_wait3A_22 = tpu.memref_slice %arg6[%mul3A_16] : memref<100000xf32, #tpu.memory_space<vmem>> -> memref<4000xf32, #tpu.memory_space<vmem>>
        tpu.wait_dma2 semaphore(%run_scoped3A : memref<!tpu.dma_semaphore, #tpu.memory_space<semaphore_mem>>) src(%dma_wait3A_22 : memref<4000xf32, #tpu.memory_space<vmem>>) dst(%dma_wait3A_21 : memref<4000xf32, #tpu.memory_space<vmem_shared>>)
        tpu.yield
      }) : () -> ()
    } else {
    }
    %barrier3A = arith.constant 0 : index
    tpu.barrier barrier_id(%barrier3A)
    tpu.enqueue_dma source(%arg7 : memref<100000xf32, #tpu.memory_space<vmem_shared>>) target(%arg6 : memref<100000xf32, #tpu.memory_space<vmem>>) target_semaphore(%arg8 : memref<!tpu.dma_semaphore, #tpu.memory_space<semaphore_mem>>)
    tpu.wait_dma2 semaphore(%arg8 : memref<!tpu.dma_semaphore, #tpu.memory_space<semaphore_mem>>) src(%arg7 : memref<100000xf32, #tpu.memory_space<vmem_shared>>) dst(%arg6 : memref<100000xf32, #tpu.memory_space<vmem>>)
    %mul3A_4 = arith.constant 1 : i32
    %mul3A_5 = arith.muli %arg1, %mul3A_4 : i32
    %add3A_6 = arith.constant 0 : i32
    %add3A_7 = arith.addi %add3A_6, %mul3A_5 : i32
    %mul3A_8 = arith.constant 16 : i32
    %mul3A_9 = arith.muli %arg0, %mul3A_8 : i32
    %add3A_10 = arith.addi %add3A_7, %mul3A_9 : i32
    %mul3A_11 = arith.constant 1 : i32
    %mul3A_12 = arith.muli %add3A_10, %mul3A_11 : i32
    "tpu.region"() ({
      %run_scoped3A = memref.alloca() : memref<2x8x512xi32, #tpu.memory_space<vmem>>
      %run_scoped3A_13 = tpu.sem_alloc : memref<2x!tpu.dma_semaphore, #tpu.memory_space<semaphore_mem>>
      %run_scoped3A_14 = memref.alloca() : memref<2x8x512xf32, #tpu.memory_space<vmem>>
      %run_scoped3A_15 = tpu.sem_alloc : memref<2x!tpu.dma_semaphore, #tpu.memory_space<semaphore_mem>>
      %run_scoped3A_16 = memref.alloca() : memref<2x8x512xi32, #tpu.memory_space<vmem>>
      %run_scoped3A_17 = tpu.sem_alloc : memref<2x!tpu.dma_semaphore, #tpu.memory_space<semaphore_mem>>
      %add3A_18 = arith.constant 0 : i32
      %add3A_19 = arith.addi %add3A_18, %mul3A_12 : i32
      %select_n3A = arith.constant true
      %select_n3A_20 = arith.constant 0 : i32
      %select_n3A_21 = arith.constant -1 : i32
      %select_n3A_22 = arith.select %select_n3A, %select_n3A_21, %select_n3A_20 : i32
      %eq3A = arith.constant -1 : i32
      %eq3A_23 = arith.cmpi eq, %select_n3A_22, %eq3A : i32
      %select_n3A_24 = arith.constant 0 : i32
      %select_n3A_25 = arith.select %eq3A_23, %select_n3A_24, %select_n3A_22 : i32
      %select_n3A_26 = arith.constant 0 : i32
      %select_n3A_27 = arith.constant -1 : i32
      %select_n3A_28 = arith.select %eq3A_23, %select_n3A_27, %select_n3A_26 : i32
      %eq3A_29 = arith.constant -1 : i32
      %eq3A_30 = arith.cmpi eq, %select_n3A_28, %eq3A_29 : i32
      %select_n3A_31 = arith.constant 24 : i32
      %select_n3A_32 = arith.select %eq3A_30, %select_n3A_31, %select_n3A_28 : i32
      %add3A_33 = arith.constant 0 : i32
      %add3A_34 = arith.addi %select_n3A_32, %add3A_33 : i32
      %add3A_35 = arith.constant 0 : i32
      %add3A_36 = arith.addi %add3A_35, %mul3A_12 : i32
      %select_n3A_37 = arith.constant true
      %select_n3A_38 = arith.constant 0 : i32
      %select_n3A_39 = arith.constant 1 : i32
      %select_n3A_40 = arith.select %select_n3A_37, %select_n3A_39, %select_n3A_38 : i32
      %eq3A_41 = arith.constant 1 : i32
      %eq3A_42 = arith.cmpi eq, %select_n3A_40, %eq3A_41 : i32
      %select_n3A_43 = arith.constant 0 : i32
      %select_n3A_44 = arith.select %eq3A_42, %select_n3A_43, %select_n3A_40 : i32
      %select_n3A_45 = arith.constant 0 : i32
      %select_n3A_46 = arith.constant 1 : i32
      %select_n3A_47 = arith.select %eq3A_42, %select_n3A_46, %select_n3A_45 : i32
      %eq3A_48 = arith.constant 25 : i32
      %eq3A_49 = arith.cmpi eq, %select_n3A_47, %eq3A_48 : i32
      %select_n3A_50 = arith.constant 0 : i32
      %select_n3A_51 = arith.select %eq3A_49, %select_n3A_50, %select_n3A_47 : i32
      %add3A_52 = arith.constant 0 : i32
      %add3A_53 = arith.addi %select_n3A_51, %add3A_52 : i32
      %add3A_54 = arith.constant 0 : i32
      %add3A_55 = arith.addi %add3A_54, %mul3A_12 : i32
      %select_n3A_56 = arith.constant true
      %select_n3A_57 = arith.constant 0 : i32
      %select_n3A_58 = arith.constant 1 : i32
      %select_n3A_59 = arith.select %select_n3A_56, %select_n3A_58, %select_n3A_57 : i32
      %eq3A_60 = arith.constant 1 : i32
      %eq3A_61 = arith.cmpi eq, %select_n3A_59, %eq3A_60 : i32
      %select_n3A_62 = arith.constant 0 : i32
      %select_n3A_63 = arith.select %eq3A_61, %select_n3A_62, %select_n3A_59 : i32
      %add3A_64 = arith.constant 1 : i32
      %add3A_65 = arith.addi %select_n3A_51, %add3A_64 : i32
      %select_n3A_66 = arith.select %eq3A_61, %add3A_65, %select_n3A_51 : i32
      %eq3A_67 = arith.constant 25 : i32
      %eq3A_68 = arith.cmpi eq, %select_n3A_66, %eq3A_67 : i32
      %select_n3A_69 = arith.constant 0 : i32
      %select_n3A_70 = arith.select %eq3A_68, %select_n3A_69, %select_n3A_66 : i32
      %add3A_71 = arith.constant 0 : i32
      %add3A_72 = arith.addi %select_n3A_70, %add3A_71 : i32
      %add3A_73 = arith.constant 0 : i32
      %add3A_74 = arith.addi %add3A_73, %mul3A_12 : i32
      "tpu.trace_start"() <{level = 10 : i32, message = "ep_initialize_0"}> : () -> ()
      %rem3A = arith.constant 0 : i32
      %rem3A_75 = arith.constant 2 : i32
      %rem3A_76 = arith.remui %rem3A, %rem3A_75 : i32
      %mul3A_77 = arith.constant 512 : i32
      %mul3A_78 = arith.muli %mul3A_77, %add3A_19 : i32
      %dma_start3A = arith.constant 0 : i32
      %dma_start3A_79 = arith.constant 0 : i32
      %dma_start3A_80 = tpu.memref_slice %run_scoped3A[%rem3A_76, %dma_start3A, %dma_start3A_79] : memref<2x8x512xi32, #tpu.memory_space<vmem>> -> memref<1x8x512xi32, #tpu.memory_space<vmem>>
      %dma_start3A_81 = tpu.memref_squeeze %dma_start3A_80 : memref<1x8x512xi32, #tpu.memory_space<vmem>> -> memref<8x512xi32, #tpu.memory_space<vmem>>
      %dma_start3A_82 = arith.constant 0 : i32
      %dma_start3A_83 = tpu.memref_slice %arg2[%dma_start3A_82, %mul3A_78] : memref<200x16384xi32, #tpu.memory_space<hbm>> -> memref<8x512xi32, #tpu.memory_space<hbm>>
      %dma_start3A_84 = tpu.memref_slice %run_scoped3A_13[%rem3A_76] : memref<2x!tpu.dma_semaphore, #tpu.memory_space<semaphore_mem>> -> memref<1x!tpu.dma_semaphore, #tpu.memory_space<semaphore_mem>>
      %dma_start3A_85 = tpu.memref_squeeze %dma_start3A_84 : memref<1x!tpu.dma_semaphore, #tpu.memory_space<semaphore_mem>> -> memref<!tpu.dma_semaphore, #tpu.memory_space<semaphore_mem>>
      %dma_start3A_86 = arith.constant 0 : i32
      %dma_start3A_87 = arith.constant 0 : i32
      %dma_start3A_88 = tpu.memref_slice %run_scoped3A[%rem3A_76, %dma_start3A_86, %dma_start3A_87] : memref<2x8x512xi32, #tpu.memory_space<vmem>> -> memref<1x8x512xi32, #tpu.memory_space<vmem>>
      %dma_start3A_89 = tpu.memref_squeeze %dma_start3A_88 : memref<1x8x512xi32, #tpu.memory_space<vmem>> -> memref<8x512xi32, #tpu.memory_space<vmem>>
      %dma_start3A_90 = arith.constant 0 : i32
      %dma_start3A_91 = tpu.memref_slice %arg2[%dma_start3A_90, %mul3A_78] : memref<200x16384xi32, #tpu.memory_space<hbm>> -> memref<8x512xi32, #tpu.memory_space<hbm>>
      tpu.enqueue_dma source(%dma_start3A_91 : memref<8x512xi32, #tpu.memory_space<hbm>>) target(%dma_start3A_89 : memref<8x512xi32, #tpu.memory_space<vmem>>) target_semaphore(%dma_start3A_85 : memref<!tpu.dma_semaphore, #tpu.memory_space<semaphore_mem>>)
      %add3A_92 = arith.constant 0 : i32
      %add3A_93 = arith.constant 1 : i32
      %add3A_94 = arith.addi %add3A_92, %add3A_93 : i32
      %select_n3A_95 = arith.constant true
      %select_n3A_96 = arith.constant 0 : i32
      %select_n3A_97 = arith.select %select_n3A_95, %add3A_94, %select_n3A_96 : i32
      %rem3A_98 = arith.constant 0 : i32
      %rem3A_99 = arith.constant 2 : i32
      %rem3A_100 = arith.remui %rem3A_98, %rem3A_99 : i32
      %mul3A_101 = arith.constant 512 : i32
      %mul3A_102 = arith.muli %mul3A_101, %add3A_19 : i32
      %dma_start3A_103 = arith.constant 0 : i32
      %dma_start3A_104 = arith.constant 0 : i32
      %dma_start3A_105 = tpu.memref_slice %run_scoped3A_14[%rem3A_100, %dma_start3A_103, %dma_start3A_104] : memref<2x8x512xf32, #tpu.memory_space<vmem>> -> memref<1x8x512xf32, #tpu.memory_space<vmem>>
      %dma_start3A_106 = tpu.memref_squeeze %dma_start3A_105 : memref<1x8x512xf32, #tpu.memory_space<vmem>> -> memref<8x512xf32, #tpu.memory_space<vmem>>
      %dma_start3A_107 = arith.constant 0 : i32
      %dma_start3A_108 = tpu.memref_slice %arg4[%dma_start3A_107, %mul3A_102] : memref<200x16384xf32, #tpu.memory_space<hbm>> -> memref<8x512xf32, #tpu.memory_space<hbm>>
      %dma_start3A_109 = tpu.memref_slice %run_scoped3A_15[%rem3A_100] : memref<2x!tpu.dma_semaphore, #tpu.memory_space<semaphore_mem>> -> memref<1x!tpu.dma_semaphore, #tpu.memory_space<semaphore_mem>>
      %dma_start3A_110 = tpu.memref_squeeze %dma_start3A_109 : memref<1x!tpu.dma_semaphore, #tpu.memory_space<semaphore_mem>> -> memref<!tpu.dma_semaphore, #tpu.memory_space<semaphore_mem>>
      %dma_start3A_111 = arith.constant 0 : i32
      %dma_start3A_112 = arith.constant 0 : i32
      %dma_start3A_113 = tpu.memref_slice %run_scoped3A_14[%rem3A_100, %dma_start3A_111, %dma_start3A_112] : memref<2x8x512xf32, #tpu.memory_space<vmem>> -> memref<1x8x512xf32, #tpu.memory_space<vmem>>
      %dma_start3A_114 = tpu.memref_squeeze %dma_start3A_113 : memref<1x8x512xf32, #tpu.memory_space<vmem>> -> memref<8x512xf32, #tpu.memory_space<vmem>>
      %dma_start3A_115 = arith.constant 0 : i32
      %dma_start3A_116 = tpu.memref_slice %arg4[%dma_start3A_115, %mul3A_102] : memref<200x16384xf32, #tpu.memory_space<hbm>> -> memref<8x512xf32, #tpu.memory_space<hbm>>
      tpu.enqueue_dma source(%dma_start3A_116 : memref<8x512xf32, #tpu.memory_space<hbm>>) target(%dma_start3A_114 : memref<8x512xf32, #tpu.memory_space<vmem>>) target_semaphore(%dma_start3A_110 : memref<!tpu.dma_semaphore, #tpu.memory_space<semaphore_mem>>)
      %add3A_117 = arith.constant 0 : i32
      %add3A_118 = arith.constant 1 : i32
      %add3A_119 = arith.addi %add3A_117, %add3A_118 : i32
      %select_n3A_120 = arith.constant true
      %select_n3A_121 = arith.constant 0 : i32
      %select_n3A_122 = arith.select %select_n3A_120, %add3A_119, %select_n3A_121 : i32
      "tpu.trace_stop"() : () -> ()
      %scan3A = arith.constant 0 : i32
      %scan3A_123 = arith.constant 0 : i32
      %scan3A_124 = arith.constant 0 : i32
      %scan3A_125 = arith.constant 0 : i32
      %scan3A_126 = arith.constant 0 : i32
      %scan3A_127 = arith.constant 0 : i32
      %scan3A_128 = arith.constant 0 : i32
      %scan3A_129 = arith.constant 25 : i32
      %scan3A_130 = arith.addi %scan3A_128, %scan3A_129 : i32
      %scan3A_131 = arith.constant 1 : i32
      %scan3A_132:8 = scf.for %scan3A_226 = %scan3A_128 to %scan3A_130 step %scan3A_131 iter_args(%scan3A_227 = %select_n3A_97, %scan3A_228 = %scan3A, %scan3A_229 = %select_n3A_122, %scan3A_230 = %scan3A_123, %scan3A_231 = %scan3A_124, %scan3A_232 = %scan3A_125, %scan3A_233 = %scan3A_126, %scan3A_234 = %scan3A_127) -> (i32, i32, i32, i32, i32, i32, i32, i32)  : i32 {
        %eq3A_235 = arith.constant 0 : i32
        %eq3A_236 = arith.cmpi eq, %scan3A_226, %eq3A_235 : i32
        %eq3A_237 = arith.constant 24 : i32
        %eq3A_238 = arith.cmpi eq, %scan3A_226, %eq3A_237 : i32
        %add3A_239 = arith.constant 0 : i32
        %add3A_240 = arith.addi %scan3A_233, %add3A_239 : i32
        %add3A_241 = arith.constant 0 : i32
        %add3A_242 = arith.addi %add3A_241, %mul3A_12 : i32
        %select_n3A_243 = arith.constant true
        %select_n3A_244 = arith.constant 0 : i32
        %select_n3A_245 = arith.constant -1 : i32
        %select_n3A_246 = arith.select %select_n3A_243, %select_n3A_245, %select_n3A_244 : i32
        %eq3A_247 = arith.constant -1 : i32
        %eq3A_248 = arith.cmpi eq, %select_n3A_246, %eq3A_247 : i32
        %select_n3A_249 = arith.constant 0 : i32
        %select_n3A_250 = arith.select %eq3A_248, %select_n3A_249, %select_n3A_246 : i32
        %sub3A_251 = arith.constant 1 : i32
        %sub3A_252 = arith.subi %scan3A_233, %sub3A_251 : i32
        %select_n3A_253 = arith.select %eq3A_248, %sub3A_252, %scan3A_233 : i32
        %eq3A_254 = arith.constant -1 : i32
        %eq3A_255 = arith.cmpi eq, %select_n3A_253, %eq3A_254 : i32
        %select_n3A_256 = arith.constant 24 : i32
        %select_n3A_257 = arith.select %eq3A_255, %select_n3A_256, %select_n3A_253 : i32
        %add3A_258 = arith.constant 0 : i32
        %add3A_259 = arith.addi %select_n3A_257, %add3A_258 : i32
        %add3A_260 = arith.constant 0 : i32
        %add3A_261 = arith.addi %add3A_260, %mul3A_12 : i32
        %select_n3A_262 = arith.constant true
        %select_n3A_263 = arith.constant 0 : i32
        %select_n3A_264 = arith.constant 1 : i32
        %select_n3A_265 = arith.select %select_n3A_262, %select_n3A_264, %select_n3A_263 : i32
        %eq3A_266 = arith.constant 1 : i32
        %eq3A_267 = arith.cmpi eq, %select_n3A_265, %eq3A_266 : i32
        %select_n3A_268 = arith.constant 0 : i32
        %select_n3A_269 = arith.select %eq3A_267, %select_n3A_268, %select_n3A_265 : i32
        %add3A_270 = arith.constant 1 : i32
        %add3A_271 = arith.addi %scan3A_233, %add3A_270 : i32
        %select_n3A_272 = arith.select %eq3A_267, %add3A_271, %scan3A_233 : i32
        %eq3A_273 = arith.constant 25 : i32
        %eq3A_274 = arith.cmpi eq, %select_n3A_272, %eq3A_273 : i32
        %select_n3A_275 = arith.constant 0 : i32
        %select_n3A_276 = arith.select %eq3A_274, %select_n3A_275, %select_n3A_272 : i32
        %add3A_277 = arith.constant 0 : i32
        %add3A_278 = arith.addi %select_n3A_276, %add3A_277 : i32
        %add3A_279 = arith.constant 0 : i32
        %add3A_280 = arith.addi %add3A_279, %mul3A_12 : i32
        %select_n3A_281 = arith.constant true
        %select_n3A_282 = arith.constant 0 : i32
        %select_n3A_283 = arith.constant 1 : i32
        %select_n3A_284 = arith.select %select_n3A_281, %select_n3A_283, %select_n3A_282 : i32
        %eq3A_285 = arith.constant 1 : i32
        %eq3A_286 = arith.cmpi eq, %select_n3A_284, %eq3A_285 : i32
        %select_n3A_287 = arith.constant 0 : i32
        %select_n3A_288 = arith.select %eq3A_286, %select_n3A_287, %select_n3A_284 : i32
        %add3A_289 = arith.constant 1 : i32
        %add3A_290 = arith.addi %select_n3A_276, %add3A_289 : i32
        %select_n3A_291 = arith.select %eq3A_286, %add3A_290, %select_n3A_276 : i32
        %eq3A_292 = arith.constant 25 : i32
        %eq3A_293 = arith.cmpi eq, %select_n3A_291, %eq3A_292 : i32
        %select_n3A_294 = arith.constant 0 : i32
        %select_n3A_295 = arith.select %eq3A_293, %select_n3A_294, %select_n3A_291 : i32
        %add3A_296 = arith.constant 0 : i32
        %add3A_297 = arith.addi %select_n3A_295, %add3A_296 : i32
        %add3A_298 = arith.constant 0 : i32
        %add3A_299 = arith.addi %add3A_298, %mul3A_12 : i32
        %ne3A = arith.cmpi ne, %add3A_240, %add3A_278 : i32
        %ne3A_300 = arith.cmpi ne, %add3A_242, %add3A_280 : i32
        %or3A = arith.constant false
        %or3A_301 = arith.ori %or3A, %ne3A : i1
        %or3A_302 = arith.ori %or3A_301, %ne3A_300 : i1
        %ge3A = arith.constant 24 : i32
        %ge3A_303 = arith.cmpi sge, %scan3A_226, %ge3A : i32
        %not3A = arith.constant true
        %not3A_304 = arith.xori %ge3A_303, %not3A : i1
        %and3A = arith.andi %or3A_302, %not3A_304 : i1
        %convert_element_type3A_305 = arith.extui %and3A : i1 to i32
        %cond3A_306 = arith.constant 0 : i32
        %cond3A_307 = arith.cmpi ne, %convert_element_type3A_305, %cond3A_306 : i32
        scf.if %cond3A_307 {
          "tpu.trace_start"() <{level = 10 : i32, message = "ep_copy_in"}> : () -> ()
          %rem3A_491 = arith.constant 2 : i32
          %rem3A_492 = arith.remui %scan3A_227, %rem3A_491 : i32
          %mul3A_493 = arith.constant 8 : i32
          %mul3A_494 = arith.muli %mul3A_493, %add3A_278 : i32
          %mul3A_495 = arith.constant 512 : i32
          %mul3A_496 = arith.muli %mul3A_495, %add3A_280 : i32
          %dma_start3A_497 = arith.constant 0 : i32
          %dma_start3A_498 = arith.constant 0 : i32
          %dma_start3A_499 = tpu.memref_slice %run_scoped3A[%rem3A_492, %dma_start3A_497, %dma_start3A_498] : memref<2x8x512xi32, #tpu.memory_space<vmem>> -> memref<1x8x512xi32, #tpu.memory_space<vmem>>
          %dma_start3A_500 = tpu.memref_squeeze %dma_start3A_499 : memref<1x8x512xi32, #tpu.memory_space<vmem>> -> memref<8x512xi32, #tpu.memory_space<vmem>>
          %dma_start3A_501 = tpu.memref_slice %arg2[%mul3A_494, %mul3A_496] : memref<200x16384xi32, #tpu.memory_space<hbm>> -> memref<8x512xi32, #tpu.memory_space<hbm>>
          %dma_start3A_502 = tpu.memref_slice %run_scoped3A_13[%rem3A_492] : memref<2x!tpu.dma_semaphore, #tpu.memory_space<semaphore_mem>> -> memref<1x!tpu.dma_semaphore, #tpu.memory_space<semaphore_mem>>
          %dma_start3A_503 = tpu.memref_squeeze %dma_start3A_502 : memref<1x!tpu.dma_semaphore, #tpu.memory_space<semaphore_mem>> -> memref<!tpu.dma_semaphore, #tpu.memory_space<semaphore_mem>>
          %dma_start3A_504 = arith.constant 0 : i32
          %dma_start3A_505 = arith.constant 0 : i32
          %dma_start3A_506 = tpu.memref_slice %run_scoped3A[%rem3A_492, %dma_start3A_504, %dma_start3A_505] : memref<2x8x512xi32, #tpu.memory_space<vmem>> -> memref<1x8x512xi32, #tpu.memory_space<vmem>>
          %dma_start3A_507 = tpu.memref_squeeze %dma_start3A_506 : memref<1x8x512xi32, #tpu.memory_space<vmem>> -> memref<8x512xi32, #tpu.memory_space<vmem>>
          %dma_start3A_508 = tpu.memref_slice %arg2[%mul3A_494, %mul3A_496] : memref<200x16384xi32, #tpu.memory_space<hbm>> -> memref<8x512xi32, #tpu.memory_space<hbm>>
          tpu.enqueue_dma source(%dma_start3A_508 : memref<8x512xi32, #tpu.memory_space<hbm>>) target(%dma_start3A_507 : memref<8x512xi32, #tpu.memory_space<vmem>>) target_semaphore(%dma_start3A_503 : memref<!tpu.dma_semaphore, #tpu.memory_space<semaphore_mem>>)
          "tpu.trace_stop"() : () -> ()
        } else {
        }
        %and3A_308 = arith.constant true
        %and3A_309 = arith.andi %and3A, %and3A_308 : i1
        %add3A_310 = arith.constant 1 : i32
        %add3A_311 = arith.addi %scan3A_227, %add3A_310 : i32
        %select_n3A_312 = arith.select %and3A_309, %add3A_311, %scan3A_227 : i32
        %ne3A_313 = arith.cmpi ne, %add3A_240, %add3A_278 : i32
        %ne3A_314 = arith.cmpi ne, %add3A_242, %add3A_280 : i32
        %or3A_315 = arith.constant false
        %or3A_316 = arith.ori %or3A_315, %ne3A_313 : i1
        %or3A_317 = arith.ori %or3A_316, %ne3A_314 : i1
        %ge3A_318 = arith.constant 24 : i32
        %ge3A_319 = arith.cmpi sge, %scan3A_226, %ge3A_318 : i32
        %not3A_320 = arith.constant true
        %not3A_321 = arith.xori %ge3A_319, %not3A_320 : i1
        %and3A_322 = arith.andi %or3A_317, %not3A_321 : i1
        %convert_element_type3A_323 = arith.extui %and3A_322 : i1 to i32
        %cond3A_324 = arith.constant 0 : i32
        %cond3A_325 = arith.cmpi ne, %convert_element_type3A_323, %cond3A_324 : i32
        scf.if %cond3A_325 {
          "tpu.trace_start"() <{level = 10 : i32, message = "ep_copy_in"}> : () -> ()
          %rem3A_491 = arith.constant 2 : i32
          %rem3A_492 = arith.remui %scan3A_229, %rem3A_491 : i32
          %mul3A_493 = arith.constant 8 : i32
          %mul3A_494 = arith.muli %mul3A_493, %add3A_278 : i32
          %mul3A_495 = arith.constant 512 : i32
          %mul3A_496 = arith.muli %mul3A_495, %add3A_280 : i32
          %dma_start3A_497 = arith.constant 0 : i32
          %dma_start3A_498 = arith.constant 0 : i32
          %dma_start3A_499 = tpu.memref_slice %run_scoped3A_14[%rem3A_492, %dma_start3A_497, %dma_start3A_498] : memref<2x8x512xf32, #tpu.memory_space<vmem>> -> memref<1x8x512xf32, #tpu.memory_space<vmem>>
          %dma_start3A_500 = tpu.memref_squeeze %dma_start3A_499 : memref<1x8x512xf32, #tpu.memory_space<vmem>> -> memref<8x512xf32, #tpu.memory_space<vmem>>
          %dma_start3A_501 = tpu.memref_slice %arg4[%mul3A_494, %mul3A_496] : memref<200x16384xf32, #tpu.memory_space<hbm>> -> memref<8x512xf32, #tpu.memory_space<hbm>>
          %dma_start3A_502 = tpu.memref_slice %run_scoped3A_15[%rem3A_492] : memref<2x!tpu.dma_semaphore, #tpu.memory_space<semaphore_mem>> -> memref<1x!tpu.dma_semaphore, #tpu.memory_space<semaphore_mem>>
          %dma_start3A_503 = tpu.memref_squeeze %dma_start3A_502 : memref<1x!tpu.dma_semaphore, #tpu.memory_space<semaphore_mem>> -> memref<!tpu.dma_semaphore, #tpu.memory_space<semaphore_mem>>
          %dma_start3A_504 = arith.constant 0 : i32
          %dma_start3A_505 = arith.constant 0 : i32
          %dma_start3A_506 = tpu.memref_slice %run_scoped3A_14[%rem3A_492, %dma_start3A_504, %dma_start3A_505] : memref<2x8x512xf32, #tpu.memory_space<vmem>> -> memref<1x8x512xf32, #tpu.memory_space<vmem>>
          %dma_start3A_507 = tpu.memref_squeeze %dma_start3A_506 : memref<1x8x512xf32, #tpu.memory_space<vmem>> -> memref<8x512xf32, #tpu.memory_space<vmem>>
          %dma_start3A_508 = tpu.memref_slice %arg4[%mul3A_494, %mul3A_496] : memref<200x16384xf32, #tpu.memory_space<hbm>> -> memref<8x512xf32, #tpu.memory_space<hbm>>
          tpu.enqueue_dma source(%dma_start3A_508 : memref<8x512xf32, #tpu.memory_space<hbm>>) target(%dma_start3A_507 : memref<8x512xf32, #tpu.memory_space<vmem>>) target_semaphore(%dma_start3A_503 : memref<!tpu.dma_semaphore, #tpu.memory_space<semaphore_mem>>)
          "tpu.trace_stop"() : () -> ()
        } else {
        }
        %and3A_326 = arith.constant true
        %and3A_327 = arith.andi %and3A_322, %and3A_326 : i1
        %add3A_328 = arith.constant 1 : i32
        %add3A_329 = arith.addi %scan3A_229, %add3A_328 : i32
        %select_n3A_330 = arith.select %and3A_327, %add3A_329, %scan3A_229 : i32
        %ne3A_331 = arith.cmpi ne, %add3A_240, %add3A_278 : i32
        %ne3A_332 = arith.cmpi ne, %add3A_242, %add3A_280 : i32
        %or3A_333 = arith.constant false
        %or3A_334 = arith.ori %or3A_333, %ne3A_331 : i1
        %or3A_335 = arith.ori %or3A_334, %ne3A_332 : i1
        %ge3A_336 = arith.constant 24 : i32
        %ge3A_337 = arith.cmpi sge, %scan3A_226, %ge3A_336 : i32
        %not3A_338 = arith.constant true
        %not3A_339 = arith.xori %ge3A_337, %not3A_338 : i1
        %and3A_340 = arith.andi %or3A_335, %not3A_339 : i1
        %ne3A_341 = arith.cmpi ne, %add3A_240, %add3A_259 : i32
        %ne3A_342 = arith.cmpi ne, %add3A_242, %add3A_261 : i32
        %or3A_343 = arith.constant false
        %or3A_344 = arith.ori %or3A_343, %ne3A_341 : i1
        %or3A_345 = arith.ori %or3A_344, %ne3A_342 : i1
        %or3A_346 = arith.ori %or3A_345, %eq3A_236 : i1
        %convert_element_type3A_347 = arith.extui %or3A_346 : i1 to i32
        %cond3A_348 = arith.constant 0 : i32
        %cond3A_349 = arith.cmpi ne, %convert_element_type3A_347, %cond3A_348 : i32
        scf.if %cond3A_349 {
          "tpu.trace_start"() <{level = 10 : i32, message = "ep_wait_in"}> : () -> ()
          %mul3A_491 = arith.constant 8 : i32
          %mul3A_492 = arith.muli %mul3A_491, %add3A_240 : i32
          %mul3A_493 = arith.constant 512 : i32
          %mul3A_494 = arith.muli %mul3A_493, %add3A_242 : i32
          %rem3A_495 = arith.constant 2 : i32
          %rem3A_496 = arith.remui %scan3A_228, %rem3A_495 : i32
          %dma_wait3A_497 = arith.constant 0 : i32
          %dma_wait3A_498 = arith.constant 0 : i32
          %dma_wait3A_499 = tpu.memref_slice %run_scoped3A[%rem3A_496, %dma_wait3A_497, %dma_wait3A_498] : memref<2x8x512xi32, #tpu.memory_space<vmem>> -> memref<1x8x512xi32, #tpu.memory_space<vmem>>
          %dma_wait3A_500 = tpu.memref_squeeze %dma_wait3A_499 : memref<1x8x512xi32, #tpu.memory_space<vmem>> -> memref<8x512xi32, #tpu.memory_space<vmem>>
          %dma_wait3A_501 = tpu.memref_slice %arg2[%mul3A_492, %mul3A_494] : memref<200x16384xi32, #tpu.memory_space<hbm>> -> memref<8x512xi32, #tpu.memory_space<hbm>>
          %dma_wait3A_502 = tpu.memref_slice %run_scoped3A_13[%rem3A_496] : memref<2x!tpu.dma_semaphore, #tpu.memory_space<semaphore_mem>> -> memref<1x!tpu.dma_semaphore, #tpu.memory_space<semaphore_mem>>
          %dma_wait3A_503 = tpu.memref_squeeze %dma_wait3A_502 : memref<1x!tpu.dma_semaphore, #tpu.memory_space<semaphore_mem>> -> memref<!tpu.dma_semaphore, #tpu.memory_space<semaphore_mem>>
          %dma_wait3A_504 = arith.constant 0 : i32
          %dma_wait3A_505 = arith.constant 0 : i32
          %dma_wait3A_506 = tpu.memref_slice %run_scoped3A[%rem3A_496, %dma_wait3A_504, %dma_wait3A_505] : memref<2x8x512xi32, #tpu.memory_space<vmem>> -> memref<1x8x512xi32, #tpu.memory_space<vmem>>
          %dma_wait3A_507 = tpu.memref_squeeze %dma_wait3A_506 : memref<1x8x512xi32, #tpu.memory_space<vmem>> -> memref<8x512xi32, #tpu.memory_space<vmem>>
          %dma_wait3A_508 = tpu.memref_slice %arg2[%mul3A_492, %mul3A_494] : memref<200x16384xi32, #tpu.memory_space<hbm>> -> memref<8x512xi32, #tpu.memory_space<hbm>>
          tpu.wait_dma2 semaphore(%dma_wait3A_503 : memref<!tpu.dma_semaphore, #tpu.memory_space<semaphore_mem>>) src(%dma_wait3A_508 : memref<8x512xi32, #tpu.memory_space<hbm>>) dst(%dma_wait3A_507 : memref<8x512xi32, #tpu.memory_space<vmem>>)
          "tpu.trace_stop"() : () -> ()
        } else {
        }
        %ne3A_350 = arith.cmpi ne, %add3A_240, %add3A_259 : i32
        %ne3A_351 = arith.cmpi ne, %add3A_242, %add3A_261 : i32
        %or3A_352 = arith.constant false
        %or3A_353 = arith.ori %or3A_352, %ne3A_350 : i1
        %or3A_354 = arith.ori %or3A_353, %ne3A_351 : i1
        %or3A_355 = arith.ori %or3A_354, %eq3A_236 : i1
        %convert_element_type3A_356 = arith.extui %or3A_355 : i1 to i32
        %cond3A_357 = arith.constant 0 : i32
        %cond3A_358 = arith.cmpi ne, %convert_element_type3A_356, %cond3A_357 : i32
        scf.if %cond3A_358 {
          "tpu.trace_start"() <{level = 10 : i32, message = "ep_wait_in"}> : () -> ()
          %mul3A_491 = arith.constant 8 : i32
          %mul3A_492 = arith.muli %mul3A_491, %add3A_240 : i32
          %mul3A_493 = arith.constant 512 : i32
          %mul3A_494 = arith.muli %mul3A_493, %add3A_242 : i32
          %rem3A_495 = arith.constant 2 : i32
          %rem3A_496 = arith.remui %scan3A_230, %rem3A_495 : i32
          %dma_wait3A_497 = arith.constant 0 : i32
          %dma_wait3A_498 = arith.constant 0 : i32
          %dma_wait3A_499 = tpu.memref_slice %run_scoped3A_14[%rem3A_496, %dma_wait3A_497, %dma_wait3A_498] : memref<2x8x512xf32, #tpu.memory_space<vmem>> -> memref<1x8x512xf32, #tpu.memory_space<vmem>>
          %dma_wait3A_500 = tpu.memref_squeeze %dma_wait3A_499 : memref<1x8x512xf32, #tpu.memory_space<vmem>> -> memref<8x512xf32, #tpu.memory_space<vmem>>
          %dma_wait3A_501 = tpu.memref_slice %arg4[%mul3A_492, %mul3A_494] : memref<200x16384xf32, #tpu.memory_space<hbm>> -> memref<8x512xf32, #tpu.memory_space<hbm>>
          %dma_wait3A_502 = tpu.memref_slice %run_scoped3A_15[%rem3A_496] : memref<2x!tpu.dma_semaphore, #tpu.memory_space<semaphore_mem>> -> memref<1x!tpu.dma_semaphore, #tpu.memory_space<semaphore_mem>>
          %dma_wait3A_503 = tpu.memref_squeeze %dma_wait3A_502 : memref<1x!tpu.dma_semaphore, #tpu.memory_space<semaphore_mem>> -> memref<!tpu.dma_semaphore, #tpu.memory_space<semaphore_mem>>
          %dma_wait3A_504 = arith.constant 0 : i32
          %dma_wait3A_505 = arith.constant 0 : i32
          %dma_wait3A_506 = tpu.memref_slice %run_scoped3A_14[%rem3A_496, %dma_wait3A_504, %dma_wait3A_505] : memref<2x8x512xf32, #tpu.memory_space<vmem>> -> memref<1x8x512xf32, #tpu.memory_space<vmem>>
          %dma_wait3A_507 = tpu.memref_squeeze %dma_wait3A_506 : memref<1x8x512xf32, #tpu.memory_space<vmem>> -> memref<8x512xf32, #tpu.memory_space<vmem>>
          %dma_wait3A_508 = tpu.memref_slice %arg4[%mul3A_492, %mul3A_494] : memref<200x16384xf32, #tpu.memory_space<hbm>> -> memref<8x512xf32, #tpu.memory_space<hbm>>
          tpu.wait_dma2 semaphore(%dma_wait3A_503 : memref<!tpu.dma_semaphore, #tpu.memory_space<semaphore_mem>>) src(%dma_wait3A_508 : memref<8x512xf32, #tpu.memory_space<hbm>>) dst(%dma_wait3A_507 : memref<8x512xf32, #tpu.memory_space<vmem>>)
          "tpu.trace_stop"() : () -> ()
        } else {
        }
        %ne3A_359 = arith.cmpi ne, %add3A_240, %add3A_259 : i32
        %ne3A_360 = arith.cmpi ne, %add3A_242, %add3A_261 : i32
        %or3A_361 = arith.constant false
        %or3A_362 = arith.ori %or3A_361, %ne3A_359 : i1
        %or3A_363 = arith.ori %or3A_362, %ne3A_360 : i1
        %or3A_364 = arith.ori %or3A_363, %eq3A_236 : i1
        %convert_element_type3A_365 = arith.extui %or3A_364 : i1 to i32
        %cond3A_366 = arith.constant 0 : i32
        %cond3A_367 = arith.cmpi ne, %convert_element_type3A_365, %cond3A_366 : i32
        scf.if %cond3A_367 {
        } else {
        }
        %rem3A_368 = arith.constant 2 : i32
        %rem3A_369 = arith.remui %scan3A_228, %rem3A_368 : i32
        %rem3A_370 = arith.constant 2 : i32
        %rem3A_371 = arith.remui %scan3A_230, %rem3A_370 : i32
        %rem3A_372 = arith.constant 2 : i32
        %rem3A_373 = arith.remui %scan3A_231, %rem3A_372 : i32
        "tpu.trace_start"() <{level = 10 : i32, message = "ep_run_kernel"}> : () -> ()
        %scan3A_374 = arith.constant 0 : i32
        %scan3A_375 = arith.constant 8 : i32
        %scan3A_376 = arith.addi %scan3A_374, %scan3A_375 : i32
        %scan3A_377 = arith.constant 1 : i32
        scf.for %scan3A_491 = %scan3A_374 to %scan3A_376 step %scan3A_377  : i32 {
          %mul3A_492 = arith.constant 1 : i32
          %mul3A_493 = arith.muli %scan3A_491, %mul3A_492 : i32
          %add3A_494 = arith.constant 0 : i32
          %add3A_495 = arith.addi %add3A_494, %mul3A_493 : i32
          %parallel_loop3A = arith.constant 0 : i32
          %parallel_loop3A_496 = arith.constant 512 : i32
          %parallel_loop3A_497 = arith.constant 16 : i32
          scf.for %parallel_loop3A_498 = %parallel_loop3A to %parallel_loop3A_496 step %parallel_loop3A_497  : i32 {
            %parallel_loop3A_499 = arith.constant 0 : i32
            %parallel_loop3A_500 = arith.constant 0 : i32
            %parallel_loop3A_501 = tpu.memref_slice %run_scoped3A[%rem3A_369, %parallel_loop3A_499, %parallel_loop3A_500] : memref<2x8x512xi32, #tpu.memory_space<vmem>> -> memref<1x8x512xi32, #tpu.memory_space<vmem>>
            %parallel_loop3A_502 = tpu.memref_squeeze %parallel_loop3A_501 : memref<1x8x512xi32, #tpu.memory_space<vmem>> -> memref<8x512xi32, #tpu.memory_space<vmem>>
            %parallel_loop3A_503 = arith.index_cast %add3A_495 : i32 to index
            %parallel_loop3A_504 = arith.index_cast %parallel_loop3A_498 : i32 to index
            %parallel_loop3A_505 = tpu.vector_load %parallel_loop3A_502[%parallel_loop3A_503, %parallel_loop3A_504] {strides = array<i32>} : memref<8x512xi32, #tpu.memory_space<vmem>>, vector<16xi32>,
            %parallel_loop3A_506 = tpu.vector_load_idx %arg6[%parallel_loop3A_505] : memref<100000xf32, #tpu.memory_space<vmem>>[vector<16xi32>], vector<16xf32>,
            %parallel_loop3A_507 = arith.constant 0 : i32
            %parallel_loop3A_508 = arith.constant 0 : i32
            %parallel_loop3A_509 = tpu.memref_slice %run_scoped3A_14[%rem3A_371, %parallel_loop3A_507, %parallel_loop3A_508] : memref<2x8x512xf32, #tpu.memory_space<vmem>> -> memref<1x8x512xf32, #tpu.memory_space<vmem>>
            %parallel_loop3A_510 = tpu.memref_squeeze %parallel_loop3A_509 : memref<1x8x512xf32, #tpu.memory_space<vmem>> -> memref<8x512xf32, #tpu.memory_space<vmem>>
            %parallel_loop3A_511 = arith.index_cast %add3A_495 : i32 to index
            %parallel_loop3A_512 = arith.index_cast %parallel_loop3A_498 : i32 to index
            %parallel_loop3A_513 = tpu.vector_load %parallel_loop3A_510[%parallel_loop3A_511, %parallel_loop3A_512] {strides = array<i32>} : memref<8x512xf32, #tpu.memory_space<vmem>>, vector<16xf32>,
            %parallel_loop3A_514 = arith.cmpf olt, %parallel_loop3A_513, %parallel_loop3A_506 : vector<16xf32>
            %parallel_loop3A_515 = arith.constant 1 : i32
            %parallel_loop3A_516 = vector.broadcast %parallel_loop3A_515 : i32 to vector<16xi32>
            %parallel_loop3A_517 = arith.select %parallel_loop3A_514, %parallel_loop3A_516, %parallel_loop3A_505 : vector<16xi1>, vector<16xi32>
            %parallel_loop3A_518 = arith.constant 0 : i32
            %parallel_loop3A_519 = arith.constant 0 : i32
            %parallel_loop3A_520 = tpu.memref_slice %run_scoped3A_16[%rem3A_373, %parallel_loop3A_518, %parallel_loop3A_519] : memref<2x8x512xi32, #tpu.memory_space<vmem>> -> memref<1x8x512xi32, #tpu.memory_space<vmem>>
            %parallel_loop3A_521 = tpu.memref_squeeze %parallel_loop3A_520 : memref<1x8x512xi32, #tpu.memory_space<vmem>> -> memref<8x512xi32, #tpu.memory_space<vmem>>
            %parallel_loop3A_522 = arith.index_cast %add3A_495 : i32 to index
            %parallel_loop3A_523 = arith.index_cast %parallel_loop3A_498 : i32 to index
            %parallel_loop3A_524 = tpu.vector_load %parallel_loop3A_521[%parallel_loop3A_522, %parallel_loop3A_523] {strides = array<i32>} : memref<8x512xi32, #tpu.memory_space<vmem>>, vector<16xi32>,
            tpu.vector_store %parallel_loop3A_521[%parallel_loop3A_522, %parallel_loop3A_523], %parallel_loop3A_517 {strides = array<i32>} : memref<8x512xi32, #tpu.memory_space<vmem>>, vector<16xi32>,
          } {sc.loop_unroll_factor = 8 : i64, sc.parallel_access}
        }
        %scan3A_378 = arith.constant 8 : i32
        "tpu.trace_stop"() : () -> ()
        %ne3A_379 = arith.cmpi ne, %add3A_240, %add3A_278 : i32
        %ne3A_380 = arith.cmpi ne, %add3A_242, %add3A_280 : i32
        %or3A_381 = arith.constant false
        %or3A_382 = arith.ori %or3A_381, %ne3A_379 : i1
        %or3A_383 = arith.ori %or3A_382, %ne3A_380 : i1
        %or3A_384 = arith.ori %or3A_383, %eq3A_238 : i1
        %convert_element_type3A_385 = arith.extui %or3A_384 : i1 to i32
        %cond3A_386 = arith.constant 0 : i32
        %cond3A_387 = arith.cmpi ne, %convert_element_type3A_385, %cond3A_386 : i32
        scf.if %cond3A_387 {
        } else {
        }
        %and3A_388 = arith.constant false
        %and3A_389 = arith.andi %or3A_384, %and3A_388 : i1
        %ne3A_390 = arith.cmpi ne, %add3A_240, %add3A_278 : i32
        %ne3A_391 = arith.cmpi ne, %add3A_242, %add3A_280 : i32
        %or3A_392 = arith.constant false
        %or3A_393 = arith.ori %or3A_392, %ne3A_390 : i1
        %or3A_394 = arith.ori %or3A_393, %ne3A_391 : i1
        %or3A_395 = arith.ori %or3A_394, %eq3A_238 : i1
        %convert_element_type3A_396 = arith.extui %or3A_395 : i1 to i32
        %cond3A_397 = arith.constant 0 : i32
        %cond3A_398 = arith.cmpi ne, %convert_element_type3A_396, %cond3A_397 : i32
        scf.if %cond3A_398 {
        } else {
        }
        %and3A_399 = arith.constant false
        %and3A_400 = arith.andi %or3A_395, %and3A_399 : i1
        %ne3A_401 = arith.cmpi ne, %add3A_240, %add3A_278 : i32
        %ne3A_402 = arith.cmpi ne, %add3A_242, %add3A_280 : i32
        %or3A_403 = arith.constant false
        %or3A_404 = arith.ori %or3A_403, %ne3A_401 : i1
        %or3A_405 = arith.ori %or3A_404, %ne3A_402 : i1
        %or3A_406 = arith.ori %or3A_405, %eq3A_238 : i1
        %convert_element_type3A_407 = arith.extui %or3A_406 : i1 to i32
        %cond3A_408 = arith.constant 0 : i32
        %cond3A_409 = arith.cmpi ne, %convert_element_type3A_407, %cond3A_408 : i32
        scf.if %cond3A_409 {
          "tpu.trace_start"() <{level = 10 : i32, message = "ep_copy_out"}> : () -> ()
          %rem3A_491 = arith.constant 2 : i32
          %rem3A_492 = arith.remui %scan3A_231, %rem3A_491 : i32
          %mul3A_493 = arith.constant 8 : i32
          %mul3A_494 = arith.muli %mul3A_493, %add3A_240 : i32
          %mul3A_495 = arith.constant 512 : i32
          %mul3A_496 = arith.muli %mul3A_495, %add3A_242 : i32
          %dma_start3A_497 = arith.constant 0 : i32
          %dma_start3A_498 = arith.constant 0 : i32
          %dma_start3A_499 = tpu.memref_slice %run_scoped3A_16[%rem3A_492, %dma_start3A_497, %dma_start3A_498] : memref<2x8x512xi32, #tpu.memory_space<vmem>> -> memref<1x8x512xi32, #tpu.memory_space<vmem>>
          %dma_start3A_500 = tpu.memref_squeeze %dma_start3A_499 : memref<1x8x512xi32, #tpu.memory_space<vmem>> -> memref<8x512xi32, #tpu.memory_space<vmem>>
          %dma_start3A_501 = tpu.memref_slice %arg5[%mul3A_494, %mul3A_496] : memref<200x16384xi32, #tpu.memory_space<hbm>> -> memref<8x512xi32, #tpu.memory_space<hbm>>
          %dma_start3A_502 = tpu.memref_slice %run_scoped3A_17[%rem3A_492] : memref<2x!tpu.dma_semaphore, #tpu.memory_space<semaphore_mem>> -> memref<1x!tpu.dma_semaphore, #tpu.memory_space<semaphore_mem>>
          %dma_start3A_503 = tpu.memref_squeeze %dma_start3A_502 : memref<1x!tpu.dma_semaphore, #tpu.memory_space<semaphore_mem>> -> memref<!tpu.dma_semaphore, #tpu.memory_space<semaphore_mem>>
          %dma_start3A_504 = tpu.memref_slice %arg5[%mul3A_494, %mul3A_496] : memref<200x16384xi32, #tpu.memory_space<hbm>> -> memref<8x512xi32, #tpu.memory_space<hbm>>
          %dma_start3A_505 = arith.constant 0 : i32
          %dma_start3A_506 = arith.constant 0 : i32
          %dma_start3A_507 = tpu.memref_slice %run_scoped3A_16[%rem3A_492, %dma_start3A_505, %dma_start3A_506] : memref<2x8x512xi32, #tpu.memory_space<vmem>> -> memref<1x8x512xi32, #tpu.memory_space<vmem>>
          %dma_start3A_508 = tpu.memref_squeeze %dma_start3A_507 : memref<1x8x512xi32, #tpu.memory_space<vmem>> -> memref<8x512xi32, #tpu.memory_space<vmem>>
          tpu.enqueue_dma source(%dma_start3A_508 : memref<8x512xi32, #tpu.memory_space<vmem>>) target(%dma_start3A_504 : memref<8x512xi32, #tpu.memory_space<hbm>>) target_semaphore(%dma_start3A_503 : memref<!tpu.dma_semaphore, #tpu.memory_space<semaphore_mem>>)
          "tpu.trace_stop"() : () -> ()
        } else {
        }
        %and3A_410 = arith.constant true
        %and3A_411 = arith.andi %or3A_406, %and3A_410 : i1
        %add3A_412 = arith.constant 1 : i32
        %add3A_413 = arith.addi %scan3A_231, %add3A_412 : i32
        %select_n3A_414 = arith.select %and3A_411, %add3A_413, %scan3A_231 : i32
        %ne3A_415 = arith.cmpi ne, %add3A_240, %add3A_259 : i32
        %ne3A_416 = arith.cmpi ne, %add3A_242, %add3A_261 : i32
        %or3A_417 = arith.constant false
        %or3A_418 = arith.ori %or3A_417, %ne3A_415 : i1
        %or3A_419 = arith.ori %or3A_418, %ne3A_416 : i1
        %not3A_420 = arith.constant true
        %not3A_421 = arith.xori %eq3A_236, %not3A_420 : i1
        %and3A_422 = arith.andi %or3A_419, %not3A_421 : i1
        %convert_element_type3A_423 = arith.extui %and3A_422 : i1 to i32
        %cond3A_424 = arith.constant 0 : i32
        %cond3A_425 = arith.cmpi ne, %convert_element_type3A_423, %cond3A_424 : i32
        scf.if %cond3A_425 {
        } else {
        }
        %and3A_426 = arith.constant false
        %and3A_427 = arith.andi %and3A_422, %and3A_426 : i1
        %ne3A_428 = arith.cmpi ne, %add3A_240, %add3A_259 : i32
        %ne3A_429 = arith.cmpi ne, %add3A_242, %add3A_261 : i32
        %or3A_430 = arith.constant false
        %or3A_431 = arith.ori %or3A_430, %ne3A_428 : i1
        %or3A_432 = arith.ori %or3A_431, %ne3A_429 : i1
        %not3A_433 = arith.constant true
        %not3A_434 = arith.xori %eq3A_236, %not3A_433 : i1
        %and3A_435 = arith.andi %or3A_432, %not3A_434 : i1
        %convert_element_type3A_436 = arith.extui %and3A_435 : i1 to i32
        %cond3A_437 = arith.constant 0 : i32
        %cond3A_438 = arith.cmpi ne, %convert_element_type3A_436, %cond3A_437 : i32
        scf.if %cond3A_438 {
        } else {
        }
        %and3A_439 = arith.constant false
        %and3A_440 = arith.andi %and3A_435, %and3A_439 : i1
        %ne3A_441 = arith.cmpi ne, %add3A_240, %add3A_259 : i32
        %ne3A_442 = arith.cmpi ne, %add3A_242, %add3A_261 : i32
        %or3A_443 = arith.constant false
        %or3A_444 = arith.ori %or3A_443, %ne3A_441 : i1
        %or3A_445 = arith.ori %or3A_444, %ne3A_442 : i1
        %not3A_446 = arith.constant true
        %not3A_447 = arith.xori %eq3A_236, %not3A_446 : i1
        %and3A_448 = arith.andi %or3A_445, %not3A_447 : i1
        %convert_element_type3A_449 = arith.extui %and3A_448 : i1 to i32
        %cond3A_450 = arith.constant 0 : i32
        %cond3A_451 = arith.cmpi ne, %convert_element_type3A_449, %cond3A_450 : i32
        scf.if %cond3A_451 {
          "tpu.trace_start"() <{level = 10 : i32, message = "ep_wait_out"}> : () -> ()
          %rem3A_491 = arith.constant 2 : i32
          %rem3A_492 = arith.remui %scan3A_232, %rem3A_491 : i32
          %mul3A_493 = arith.constant 8 : i32
          %mul3A_494 = arith.muli %mul3A_493, %add3A_259 : i32
          %mul3A_495 = arith.constant 512 : i32
          %mul3A_496 = arith.muli %mul3A_495, %add3A_261 : i32
          %dma_wait3A_497 = arith.constant 0 : i32
          %dma_wait3A_498 = arith.constant 0 : i32
          %dma_wait3A_499 = tpu.memref_slice %run_scoped3A_16[%rem3A_492, %dma_wait3A_497, %dma_wait3A_498] : memref<2x8x512xi32, #tpu.memory_space<vmem>> -> memref<1x8x512xi32, #tpu.memory_space<vmem>>
          %dma_wait3A_500 = tpu.memref_squeeze %dma_wait3A_499 : memref<1x8x512xi32, #tpu.memory_space<vmem>> -> memref<8x512xi32, #tpu.memory_space<vmem>>
          %dma_wait3A_501 = tpu.memref_slice %arg5[%mul3A_494, %mul3A_496] : memref<200x16384xi32, #tpu.memory_space<hbm>> -> memref<8x512xi32, #tpu.memory_space<hbm>>
          %dma_wait3A_502 = tpu.memref_slice %run_scoped3A_17[%rem3A_492] : memref<2x!tpu.dma_semaphore, #tpu.memory_space<semaphore_mem>> -> memref<1x!tpu.dma_semaphore, #tpu.memory_space<semaphore_mem>>
          %dma_wait3A_503 = tpu.memref_squeeze %dma_wait3A_502 : memref<1x!tpu.dma_semaphore, #tpu.memory_space<semaphore_mem>> -> memref<!tpu.dma_semaphore, #tpu.memory_space<semaphore_mem>>
          %dma_wait3A_504 = tpu.memref_slice %arg5[%mul3A_494, %mul3A_496] : memref<200x16384xi32, #tpu.memory_space<hbm>> -> memref<8x512xi32, #tpu.memory_space<hbm>>
          %dma_wait3A_505 = arith.constant 0 : i32
          %dma_wait3A_506 = arith.constant 0 : i32
          %dma_wait3A_507 = tpu.memref_slice %run_scoped3A_16[%rem3A_492, %dma_wait3A_505, %dma_wait3A_506] : memref<2x8x512xi32, #tpu.memory_space<vmem>> -> memref<1x8x512xi32, #tpu.memory_space<vmem>>
          %dma_wait3A_508 = tpu.memref_squeeze %dma_wait3A_507 : memref<1x8x512xi32, #tpu.memory_space<vmem>> -> memref<8x512xi32, #tpu.memory_space<vmem>>
          tpu.wait_dma2 semaphore(%dma_wait3A_503 : memref<!tpu.dma_semaphore, #tpu.memory_space<semaphore_mem>>) src(%dma_wait3A_508 : memref<8x512xi32, #tpu.memory_space<vmem>>) dst(%dma_wait3A_504 : memref<8x512xi32, #tpu.memory_space<hbm>>)
          "tpu.trace_stop"() : () -> ()
        } else {
        }
        %and3A_452 = arith.constant true
        %and3A_453 = arith.andi %and3A_448, %and3A_452 : i1
        %add3A_454 = arith.constant 1 : i32
        %add3A_455 = arith.addi %scan3A_232, %add3A_454 : i32
        %select_n3A_456 = arith.select %and3A_453, %add3A_455, %scan3A_232 : i32
        %ne3A_457 = arith.cmpi ne, %add3A_240, %add3A_278 : i32
        %ne3A_458 = arith.cmpi ne, %add3A_242, %add3A_280 : i32
        %or3A_459 = arith.constant false
        %or3A_460 = arith.ori %or3A_459, %ne3A_457 : i1
        %or3A_461 = arith.ori %or3A_460, %ne3A_458 : i1
        %or3A_462 = arith.ori %or3A_461, %eq3A_238 : i1
        %add3A_463 = arith.constant 1 : i32
        %add3A_464 = arith.addi %scan3A_228, %add3A_463 : i32
        %select_n3A_465 = arith.select %or3A_462, %add3A_464, %scan3A_228 : i32
        %ne3A_466 = arith.cmpi ne, %add3A_240, %add3A_278 : i32
        %ne3A_467 = arith.cmpi ne, %add3A_242, %add3A_280 : i32
        %or3A_468 = arith.constant false
        %or3A_469 = arith.ori %or3A_468, %ne3A_466 : i1
        %or3A_470 = arith.ori %or3A_469, %ne3A_467 : i1
        %or3A_471 = arith.ori %or3A_470, %eq3A_238 : i1
        %add3A_472 = arith.constant 1 : i32
        %add3A_473 = arith.addi %scan3A_230, %add3A_472 : i32
        %select_n3A_474 = arith.select %or3A_471, %add3A_473, %scan3A_230 : i32
        %select_n3A_475 = arith.constant true
        %select_n3A_476 = arith.constant 0 : i32
        %select_n3A_477 = arith.constant 1 : i32
        %select_n3A_478 = arith.select %select_n3A_475, %select_n3A_477, %select_n3A_476 : i32
        %eq3A_479 = arith.constant 1 : i32
        %eq3A_480 = arith.cmpi eq, %select_n3A_478, %eq3A_479 : i32
        %select_n3A_481 = arith.constant 0 : i32
        %select_n3A_482 = arith.select %eq3A_480, %select_n3A_481, %select_n3A_478 : i32
        %add3A_483 = arith.constant 1 : i32
        %add3A_484 = arith.addi %scan3A_233, %add3A_483 : i32
        %select_n3A_485 = arith.select %eq3A_480, %add3A_484, %scan3A_233 : i32
        %eq3A_486 = arith.constant 25 : i32
        %eq3A_487 = arith.cmpi eq, %select_n3A_485, %eq3A_486 : i32
        %select_n3A_488 = arith.constant 0 : i32
        %select_n3A_489 = arith.select %eq3A_487, %select_n3A_488, %select_n3A_485 : i32
        %scan3A_490 = arith.constant 0 : i32
        scf.yield %select_n3A_312, %select_n3A_465, %select_n3A_330, %select_n3A_474, %select_n3A_414, %select_n3A_456, %select_n3A_489, %scan3A_490 : i32, i32, i32, i32, i32, i32, i32, i32
      }
      %scan3A_133 = arith.constant 25 : i32
      %sub3A = arith.constant 1 : i32
      %sub3A_134 = arith.subi %scan3A_132#7, %sub3A : i32
      %select_n3A_135 = arith.constant true
      %select_n3A_136 = arith.select %select_n3A_135, %sub3A_134, %scan3A_132#7 : i32
      %eq3A_137 = arith.constant -1 : i32
      %eq3A_138 = arith.cmpi eq, %select_n3A_136, %eq3A_137 : i32
      %select_n3A_139 = arith.constant 0 : i32
      %select_n3A_140 = arith.select %eq3A_138, %select_n3A_139, %select_n3A_136 : i32
      %sub3A_141 = arith.constant 1 : i32
      %sub3A_142 = arith.subi %scan3A_132#6, %sub3A_141 : i32
      %select_n3A_143 = arith.select %eq3A_138, %sub3A_142, %scan3A_132#6 : i32
      %eq3A_144 = arith.constant -1 : i32
      %eq3A_145 = arith.cmpi eq, %select_n3A_143, %eq3A_144 : i32
      %select_n3A_146 = arith.constant 24 : i32
      %select_n3A_147 = arith.select %eq3A_145, %select_n3A_146, %select_n3A_143 : i32
      %add3A_148 = arith.constant 0 : i32
      %add3A_149 = arith.addi %select_n3A_147, %add3A_148 : i32
      %add3A_150 = arith.constant 0 : i32
      %add3A_151 = arith.addi %add3A_150, %mul3A_12 : i32
      %select_n3A_152 = arith.constant true
      %select_n3A_153 = arith.constant 0 : i32
      %select_n3A_154 = arith.constant -1 : i32
      %select_n3A_155 = arith.select %select_n3A_152, %select_n3A_154, %select_n3A_153 : i32
      %eq3A_156 = arith.constant -1 : i32
      %eq3A_157 = arith.cmpi eq, %select_n3A_155, %eq3A_156 : i32
      %select_n3A_158 = arith.constant 0 : i32
      %select_n3A_159 = arith.select %eq3A_157, %select_n3A_158, %select_n3A_155 : i32
      %sub3A_160 = arith.constant 1 : i32
      %sub3A_161 = arith.subi %select_n3A_147, %sub3A_160 : i32
      %select_n3A_162 = arith.select %eq3A_157, %sub3A_161, %select_n3A_147 : i32
      %eq3A_163 = arith.constant -1 : i32
      %eq3A_164 = arith.cmpi eq, %select_n3A_162, %eq3A_163 : i32
      %select_n3A_165 = arith.constant 24 : i32
      %select_n3A_166 = arith.select %eq3A_164, %select_n3A_165, %select_n3A_162 : i32
      %add3A_167 = arith.constant 0 : i32
      %add3A_168 = arith.addi %select_n3A_166, %add3A_167 : i32
      %add3A_169 = arith.constant 0 : i32
      %add3A_170 = arith.addi %add3A_169, %mul3A_12 : i32
      %select_n3A_171 = arith.constant true
      %select_n3A_172 = arith.constant 0 : i32
      %select_n3A_173 = arith.constant 1 : i32
      %select_n3A_174 = arith.select %select_n3A_171, %select_n3A_173, %select_n3A_172 : i32
      %eq3A_175 = arith.constant 1 : i32
      %eq3A_176 = arith.cmpi eq, %select_n3A_174, %eq3A_175 : i32
      %select_n3A_177 = arith.constant 0 : i32
      %select_n3A_178 = arith.select %eq3A_176, %select_n3A_177, %select_n3A_174 : i32
      %add3A_179 = arith.constant 1 : i32
      %add3A_180 = arith.addi %select_n3A_147, %add3A_179 : i32
      %select_n3A_181 = arith.select %eq3A_176, %add3A_180, %select_n3A_147 : i32
      %eq3A_182 = arith.constant 25 : i32
      %eq3A_183 = arith.cmpi eq, %select_n3A_181, %eq3A_182 : i32
      %select_n3A_184 = arith.constant 0 : i32
      %select_n3A_185 = arith.select %eq3A_183, %select_n3A_184, %select_n3A_181 : i32
      %add3A_186 = arith.constant 0 : i32
      %add3A_187 = arith.addi %select_n3A_185, %add3A_186 : i32
      %add3A_188 = arith.constant 0 : i32
      %add3A_189 = arith.addi %add3A_188, %mul3A_12 : i32
      %select_n3A_190 = arith.constant true
      %select_n3A_191 = arith.constant 0 : i32
      %select_n3A_192 = arith.constant 1 : i32
      %select_n3A_193 = arith.select %select_n3A_190, %select_n3A_192, %select_n3A_191 : i32
      %eq3A_194 = arith.constant 1 : i32
      %eq3A_195 = arith.cmpi eq, %select_n3A_193, %eq3A_194 : i32
      %select_n3A_196 = arith.constant 0 : i32
      %select_n3A_197 = arith.select %eq3A_195, %select_n3A_196, %select_n3A_193 : i32
      %add3A_198 = arith.constant 1 : i32
      %add3A_199 = arith.addi %select_n3A_185, %add3A_198 : i32
      %select_n3A_200 = arith.select %eq3A_195, %add3A_199, %select_n3A_185 : i32
      %eq3A_201 = arith.constant 25 : i32
      %eq3A_202 = arith.cmpi eq, %select_n3A_200, %eq3A_201 : i32
      %select_n3A_203 = arith.constant 0 : i32
      %select_n3A_204 = arith.select %eq3A_202, %select_n3A_203, %select_n3A_200 : i32
      %add3A_205 = arith.constant 0 : i32
      %add3A_206 = arith.addi %select_n3A_204, %add3A_205 : i32
      %add3A_207 = arith.constant 0 : i32
      %add3A_208 = arith.addi %add3A_207, %mul3A_12 : i32
      "tpu.trace_start"() <{level = 10 : i32, message = "ep_finalize"}> : () -> ()
      %rem3A_209 = arith.constant 2 : i32
      %rem3A_210 = arith.remui %scan3A_132#5, %rem3A_209 : i32
      %mul3A_211 = arith.constant 8 : i32
      %mul3A_212 = arith.muli %mul3A_211, %add3A_149 : i32
      %mul3A_213 = arith.constant 512 : i32
      %mul3A_214 = arith.muli %mul3A_213, %add3A_151 : i32
      %dma_wait3A = arith.constant 0 : i32
      %dma_wait3A_215 = arith.constant 0 : i32
      %dma_wait3A_216 = tpu.memref_slice %run_scoped3A_16[%rem3A_210, %dma_wait3A, %dma_wait3A_215] : memref<2x8x512xi32, #tpu.memory_space<vmem>> -> memref<1x8x512xi32, #tpu.memory_space<vmem>>
      %dma_wait3A_217 = tpu.memref_squeeze %dma_wait3A_216 : memref<1x8x512xi32, #tpu.memory_space<vmem>> -> memref<8x512xi32, #tpu.memory_space<vmem>>
      %dma_wait3A_218 = tpu.memref_slice %arg5[%mul3A_212, %mul3A_214] : memref<200x16384xi32, #tpu.memory_space<hbm>> -> memref<8x512xi32, #tpu.memory_space<hbm>>
      %dma_wait3A_219 = tpu.memref_slice %run_scoped3A_17[%rem3A_210] : memref<2x!tpu.dma_semaphore, #tpu.memory_space<semaphore_mem>> -> memref<1x!tpu.dma_semaphore, #tpu.memory_space<semaphore_mem>>
      %dma_wait3A_220 = tpu.memref_squeeze %dma_wait3A_219 : memref<1x!tpu.dma_semaphore, #tpu.memory_space<semaphore_mem>> -> memref<!tpu.dma_semaphore, #tpu.memory_space<semaphore_mem>>
      %dma_wait3A_221 = tpu.memref_slice %arg5[%mul3A_212, %mul3A_214] : memref<200x16384xi32, #tpu.memory_space<hbm>> -> memref<8x512xi32, #tpu.memory_space<hbm>>
      %dma_wait3A_222 = arith.constant 0 : i32
      %dma_wait3A_223 = arith.constant 0 : i32
      %dma_wait3A_224 = tpu.memref_slice %run_scoped3A_16[%rem3A_210, %dma_wait3A_222, %dma_wait3A_223] : memref<2x8x512xi32, #tpu.memory_space<vmem>> -> memref<1x8x512xi32, #tpu.memory_space<vmem>>
      %dma_wait3A_225 = tpu.memref_squeeze %dma_wait3A_224 : memref<1x8x512xi32, #tpu.memory_space<vmem>> -> memref<8x512xi32, #tpu.memory_space<vmem>>
      tpu.wait_dma2 semaphore(%dma_wait3A_220 : memref<!tpu.dma_semaphore, #tpu.memory_space<semaphore_mem>>) src(%dma_wait3A_225 : memref<8x512xi32, #tpu.memory_space<vmem>>) dst(%dma_wait3A_221 : memref<8x512xi32, #tpu.memory_space<hbm>>)
      "tpu.trace_stop"() : () -> ()
      tpu.yield
    }) : () -> ()
    return
  }
}

</mosaic_0001>

<sc_bundles>
// kernel: kernel.3.cloned.1.call-start
scs
__scs_entry_jumppad:
0x0: {  	(pc) =	sbr.rel $0x88, $3  }
0x1: {  	(tag) =	ssettag $0x0;
	lr =	simm.s32 $0x1  }
0x2: {  	[smem:$0x3F9E] =	sst lr;
	_ =	strace $0xD0000000  }
0x3: {  	_ = 	snop  }
0x4: {  	_ = 	snop  }
0x5: {  	_ = 	snop  }
0x6: {  	_ = 	snop  }
0x7: {  	_ = 	snop  }
__scs_overlays_trampoline_lowered:
0x8: {  	[smem:$0x3FAD] =	sst s0  }
0x9: {  	[smem:$0x3FAE] =	sst s1  }
0xa: {  	[smem:$0x3FAF] =	sst s2  }
0xb: {  	[smem:$0x3FB0] =	sst s3  }
0xc: {  	[smem:$0x3FB1] =	sst s4  }
0xd: {  	[smem:$0x3FB2] =	sst s5  }
0xe: {  	[smem:$0x3FB3] =	sst s6  }
0xf: {  	[smem:$0x3FB4] =	sst s7  }
0x10: {  	[smem:$0x3FB5] =	sst s8  }
0x11: {  	[smem:$0x3FB6] =	sst s9;
	s0 =	simm.s32 @!p0 $0x0  }
0x12: {  	s1 =	sld [smem:$0x3F9C];
	s0 =	simm.s32 @p0 $0x1  }
0x13: {  	[smem:$0x3FB7] =	sst s0;
	s0 =	simm.s32 @!p1 $0x0  }
0x14: {  	s2 =	sld [smem:$0x3F9B];
	s0 =	simm.s32 @p1 $0x1  }
0x15: {  	[smem:$0x3FB8] =	sst s0;
	s0 =	simm.s32 @!p2 $0x0  }
0x16: {  	s3 =	sld [smem:$0x3FDB];
	s0 =	simm.s32 @p2 $0x1  }
0x17: {  	s4 =	simm.s32 $0x1BF5;
	[smem:$0x3FBA] =	sst s0  }
0x18: {  	s0 =	sld [smem:$0x3F9D];
	_ =	swait.ge [sflag:s4], $0x0  }
0x19: {  	s7 =	sld [smem:$0x3F9E]  }
0x1a: {  	s8 =	sadd.s32 $0xFFFFE003, lr  }
0x1b: {  	s9 =	sadd.s32 $0xFFFFFEF7, lr;
	s5 =	simm.s32 $0xFFFFFFFF;
	p2 =	slt.u32 s8, $0xFFFFF086  }
0x1c: {  	p1 =	slt.u32 s9, $0xF7A;
	s5 =	simm.s32 @!p2 $0x0  }
0x1d: {  	s5 =	simm.s32 @p1 $0x1;
	p0 =	seq.s32 s7, s2  }
0x1e: {  	s7 =	smul.u32 @!p0 $0xF7A, s2;
	p2 =	seq.s32 @!p0 s5, $0x0  }
0x1f: {  	s9 =	smul.u32 $0xF7A, s1;
	s8 =	simm.s32 @!p0 $0x1BF5;
	p2 =	por !p2, p0  }
0x20: {  	[sflag:s8] =	ssyncset.s32 @!p0 $0xFFFFF086;
	s6 =	sadd.s32 @!p0 s3, s7;
	s7 =	simm.s32 @!p0 $0x108  }
0x21: {  	s3 =	sadd.s32 s3, s9;
	s6 =	sadd.s32 @!p0 $0x88, s6;
	s7 =	simm.s32 @p2 $0x1082  }
0x22: {  	[simem:s7], [sflag:s8] =	dma.local @!p0 [hbm:s6], $0xF7A  }
0x23: {  	s9 =	sor.u32 $0xD0000000, s2;
	s6 =	simm.s32 $0x108;
	_ =	swait.ge @!p0 [sflag:s8], $0x0  }
0x24: {  	s3 =	sadd.s32 $0x88, s3;
	s6 =	simm.s32 @!p1 $0x1082;
	[sflag:s4] =	ssyncset.s32 $0xFFFFF086  }
0x25: {  	[simem:s6], [sflag:s4] =	dma.local [hbm:s3], $0xF7A  }
0x26: {  	[smem:$0x3F9E] =	sst s1;
	(tag) =	ssettag s2;
	_ =	strace s9  }
0x27: {  	s1 =	sld [smem:$0x3FAE]  }
0x28: {  	s2 =	sld [smem:$0x3FAF]  }
0x29: {  	s4 =	sld [smem:$0x3FB1]  }
0x2a: {  	p0 =	seq.s32 s5, $0x0;
	s5 =	sld [smem:$0x3FB2]  }
0x2b: {  	s6 =	sld [smem:$0x3FB3]  }
0x2c: {  	s7 =	sld [smem:$0x3FB4]  }
0x2d: {  	s3 =	simm.s32 $0x108;
	s8 =	sld [smem:$0x3FB5]  }
0x2e: {  	s3 =	simm.s32 @!p0 $0x1082;
	s9 =	sld [smem:$0x3FB6]  }
0x2f: {  	lr =	sadd.s32 s0, s3;
	s0 =	sld [smem:$0x3FAD]  }
0x30: {  	s3 =	sld [smem:$0x3FB0]  }
0x31: {  	[smem:$0x3FB9] =	sst s10  }
0x32: {  	s10 =	sld [smem:$0x3FB7];
	_ =	sdelay $0x3  }
0x33: {  	p0 =	seq.s32 s10, $0x1;
	s10 =	sld [smem:$0x3FB9];
	_ =	sdelay $0x3  }
0x34: {  	[smem:$0x3FB9] =	sst s10  }
0x35: {  	s10 =	sld [smem:$0x3FB8];
	_ =	sdelay $0x3  }
0x36: {  	p1 =	seq.s32 s10, $0x1;
	s10 =	sld [smem:$0x3FB9];
	_ =	sdelay $0x3  }
0x37: {  	[smem:$0x3FB9] =	sst s10  }
0x38: {  	s10 =	sld [smem:$0x3FBA]  }
0x39: {  	_ = 	snop;
	(pc) =	sbr.ind lr, $3  }
0x3a: {  	_ = 	snop  }
0x3b: {  	_ = 	snop  }
0x3c: {  	p2 =	seq.s32 s10, $0x1;
	s10 =	sld [smem:$0x3FB9]  }
0x3d: {  	_ =	shalt  }
0x3e: {  	_ =	shalt  }
0x3f: {  	_ =	shalt  }
0x40: {  	_ =	shalt  }
0x41: {  	_ =	shalt  }
0x42: {  	_ =	shalt  }
0x43: {  	_ =	shalt  }
0x44: {  	_ =	shalt  }
0x45: {  	_ =	shalt  }
0x46: {  	_ =	shalt  }
0x47: {  	_ =	shalt  }
0x48: {  	_ =	shalt  }
0x49: {  	_ =	shalt  }
0x4a: {  	_ =	shalt  }
0x4b: {  	_ =	shalt  }
0x4c: {  	_ =	shalt  }
0x4d: {  	_ =	shalt  }
0x4e: {  	_ =	shalt  }
0x4f: {  	_ =	shalt  }
0x50: {  	_ =	shalt  }
0x51: {  	_ =	shalt  }
0x52: {  	_ =	shalt  }
0x53: {  	_ =	shalt  }
0x54: {  	_ =	shalt  }
0x55: {  	_ =	shalt  }
0x56: {  	_ =	shalt  }
0x57: {  	_ =	shalt  }
0x58: {  	_ =	shalt  }
0x59: {  	_ =	shalt  }
0x5a: {  	_ =	shalt  }
0x5b: {  	_ =	shalt  }
0x5c: {  	_ =	shalt  }
0x5d: {  	_ =	shalt  }
0x5e: {  	_ =	shalt  }
0x5f: {  	_ =	shalt  }
0x60: {  	_ =	shalt  }
0x61: {  	_ =	shalt  }
0x62: {  	_ =	shalt  }
0x63: {  	_ =	shalt  }
0x64: {  	_ =	shalt  }
0x65: {  	_ =	shalt  }
0x66: {  	_ =	shalt  }
0x67: {  	_ =	shalt  }
0x68: {  	_ =	shalt  }
0x69: {  	_ =	shalt  }
0x6a: {  	_ =	shalt  }
0x6b: {  	_ =	shalt  }
0x6c: {  	_ =	shalt  }
0x6d: {  	_ =	shalt  }
0x6e: {  	_ =	shalt  }
0x6f: {  	_ =	shalt  }
0x70: {  	_ =	shalt  }
0x71: {  	_ =	shalt  }
0x72: {  	_ =	shalt  }
0x73: {  	_ =	shalt  }
0x74: {  	_ =	shalt  }
0x75: {  	_ =	shalt  }
0x76: {  	_ =	shalt  }
0x77: {  	_ =	shalt  }
0x78: {  	_ =	shalt  }
0x79: {  	_ =	shalt  }
0x7a: {  	_ =	shalt  }
0x7b: {  	_ =	shalt  }
0x7c: {  	_ =	shalt  }
0x7d: {  	_ =	shalt  }
0x7e: {  	_ =	shalt  }
0x7f: {  	_ =	shalt  }
0x80: {  	_ =	shalt  }
0x81: {  	_ =	shalt  }
0x82: {  	_ =	shalt  }
0x83: {  	_ =	shalt  }
0x84: {  	_ =	shalt  }
0x85: {  	_ =	shalt  }
0x86: {  	_ =	shalt  }
0x87: {  	_ =	shalt  }
.Lfunc_end0:
.L_simem_size_0:
called_computation_lowered:
.L_overlay_start_0:
0x88: {  	s2 =	sld [smem:$0x3FD9]  }
0x89: {  	s3 =	sld [smem:$0x3FFE];
	_ =	sdelay $0x1  }
0x8a: {  	s1 =	srdreg.scid  }
0x8b: {  	s0 =	sand.u32 $0x1, s1  }
0x8c: {  	s18 =	sshll.u32 s0, $0xA;
	s2 =	sadd.s32 s3, s2  }
0x8d: {  	s2 =	sadd.s32 s2, s18  }
0x8e: {  	[smem:$0x3FC5] =	sst s2  }
0x8f: {  	_ = 	snop  }
0x90: {  	s2 =	sld [smem:$0x3FC9]  }
0x91: {  	s19 =	sld [smem:$0x3FC8]  }
0x92: {  	s4 =	sld [smem:$0x3FC7]  }
0x93: {  	s5 =	sld [smem:$0x3FD0];
	(tm) =	ssettm $0x1  }
0x94: {  	s6 =	sld [smem:$0x3FFB];
	_ =	sdelay $0x3  }
0x95: {  	_ =	strace s6  }
0x96: {  	s6 =	sld [smem:$0x3FFC];
	_ =	sdelay $0x3  }
0x97: {  	_ =	strace s6  }
0x98: {  	s6 =	sld [smem:$0x3FFD];
	_ =	sdelay $0x3  }
0x99: {  	_ =	strace s6  }
0x9a: {  	_ =	strace $0x8FFFFFFF  }
0x9b: {  	s20 =	sld [smem:$0x3FDB];
	_ =	sdelay $0x1  }
0x9c: {  	s7 =	simm.s32 $_scs_section_size  }
0x9d: {  	s8 =	simm.s32 $_size__tile_overlayer_lowered;
	s9 =	simm.s32 $_tile_overlayer_lowered  }
0x9e: {  	s23 =	simm.s32 $0x1BFF;
	s22 =	sshll.u32 s9, $0x1;
	s6 =	sadd.s32 s7, s20  }
0x9f: {  	s10 =	simm.s32 $0x0;
	s21 =	sshll.u32 s8, $0x1;
	s8 =	sadd.s32 s22, s6  }
0xa0: {  	[timem:s10], [sflag:s23] =	dma.local [hbm:s8], s21  }
0xa1: {  	_ =	swait.ge [sflag:s23], s21  }
0xa2: {  	s7 =	ssub.s32 $0x0, s21;
	[sflag:s23] =	ssyncset.done $0x0  }
0xa3: {  	[sflag:s23] =	ssyncadd.s32 s7;
	_ =	sdelay $0x1  }
0xa4: {  	s24 =	simm.s32 $0x1B8B  }
0xa5: {  	_ =	swait.ge [sflag:s24], $0x1  }
0xa6: {  	[sflag:s24] =	ssyncset.done $0x0  }
0xa7: {  	s25 =	simm.s32 $0x1B8E;
	[sflag:s24] =	ssyncadd.s32 $0xFFFFFFFF  }
0xa8: {  	s26 =	simm.s32 $execute0_lowered;
	[smem:$0x3FD2] =	sst s25  }
0xa9: {  	s7 =	sshll.u32 s26, $0x1;
	_ =	strace $0x80000046;
	[dreg:$0x1] =	wrdreg $0xFFFFFFFF  }
0xaa: {  	s28 =	simm.s32 $_size_execute0_lowered;
	s6 =	sadd.s32 s6, s7;
	[dreg:$0x0] =	wrdreg $0x0  }
0xab: {  	s7 =	sshll.u32 s28, $0x1;
	[dreg:$0x2] =	wrdreg s6  }
0xac: {  	[dreg:$0x3] =	wrdreg s7  }
0xad: {  	[dreg:$0x4] =	wrdreg $0xC0  }
0xae: {  	_ =	task [dreg:s10], $0x5FFFF  }
0xaf: {  	[dreg:$0x1] =	wrdreg $0xFFFFFFFF  }
0xb0: {  	[dreg:$0x0] =	wrdreg $0x60  }
0xb1: {  	[dreg:$0x2] =	wrdreg s2  }
0xb2: {  	[dreg:$0x3] =	wrdreg s19  }
0xb3: {  	[dreg:$0x4] =	wrdreg s4  }
0xb4: {  	[dreg:$0x5] =	wrdreg s5  }
0xb5: {  	[dreg:$0x6] =	wrdreg $0x187000  }
0xb6: {  	[dreg:$0x7] =	wrdreg $0x9  }
0xb7: {  	_ =	task.clear_ibuf [dreg:s10], $0x8FFFF;
	_ =	strace $0x90000046  }
0xb8: {  	s29 =	simm.s32 $0x9;
	_ =	strace $0x80000051  }
0xb9: {  	_ =	swait.ge [sflag:s29], $0x1  }
0xba: {  	[sflag:s29] =	ssyncadd.s32 $0xFFFFFFFF  }
0xbb: {  	_ =	strace $0x90000051  }
0xbc: {  	_ =	sfence  }
0xbd: {  	s30 =	sld [smem:$0x0];
	_ =	sdelay $0x2  }
0xbe: {  	s31 =	sshll.u32 s1, $0xD;
	s1 =	sshrl.u32 s1, $0x2  }
0xbf: {  	s3 =	sand.u32 $0x4000, s31;
	s1 =	sadd.s32 s1, s30  }
0xc0: {  	s0 =	sor.u32 s3, s0;
	s1 =	sshll.u32 s1, $0x11  }
0xc1: {  	s0 =	sor.u32 s1, s0  }
0xc2: {  	s0 =	sadd.s32 $0x8F2B, s0  }
0xc3: {  	[sflag:s0] =	ssyncadd.remote.s32 $0x1  }
0xc4: {  	_ =	sfence.sel $0xFFFF  }
0xc5: {  	[dreg:$0x0] =	wrdreg $0xFFFFFFFF;
	(pc) =	sbr.abs _section_cstart, $3  }
0xc6: {  	[dreg:$0x1] =	wrdreg $0xFFFFFFFF  }
0xc7: {  	_ =	task.clear_ibuf [dreg:s10], $0x2FFFF;
	_ =	strace $0x9FFFFFFF  }
0xc8: {  	(tm) =	ssettm $0x7FFFFFFF  }
0xc9: {  	_ =	shalt  }
tec
execute0_lowered:
.L_overlay_start_1:
0x0: {  	(tag) =	ssettag $0x1  }
0x1: {  	s1 =	rddreg [dreg:$0x0]  }
0x2: {  	s0 =	rddreg [dreg:$0x1]  }
0x3: {  	s2 =	rddreg [dreg:$0x2]  }
0x4: {  	s3 =	rddreg [dreg:$0x3]  }
0x5: {  	s11 =	rddreg [dreg:$0x4]  }
0x6: {  	s4 =	srdreg.scid;
	s6 =	simm.s32 $0x0;
	s12 =	stileid.u32  }
0x7: {  	s4 =	sand.u32 $0x1, s4;
	[smem:$0x7FF] =	sst s6;
	s7 =	smul.u32 $0xFA0, s12  }
0x8: {  	s10 =	sshll.u32 s12, $0xC;
	s5 =	ssub.s32 $0x2, s4;
	_ =	strace $0x80000047  }
0x9: {  	s4 =	sshll.u32 s4, $0x10;
	s8 =	sshrl.u32 s5, $0x1;
	s23 =	sshrl.u32 s7, $0x3  }
0xa: {  	s9 =	sadd.s32 $0xFA00, s7;
	s10 =	sor.u32 s10, s4;
	s24 =	sadd.s32 s7, s11  }
0xb: {  	s5 =	ssub.s32 s5, s8;
	s8 =	sadd.s32 s0, s23;
	[dreg:$0x7] =	wrdreg s24  }
0xc: {  	s25 =	sshrl.u32 s9, $0x3;
	s28 =	sadd.s32 s9, s11;
	[dreg:$0x6] =	wrdreg s8  }
0xd: {  	s26 =	sshrl.u32 s10, $0x3;
	s0 =	sadd.s32 s0, s25;
	[dreg:$0x9] =	wrdreg s28  }
0xe: {  	s17 =	simm.s32 $0x2;
	s29 =	sadd.s32 s1, s26;
	[dreg:$0x8] =	wrdreg s0  }
0xf: {  	s20 =	simm.s32 $0x1;
	s30 =	sadd.s32 s2, s26;
	[dreg:$0xa] =	wrdreg s29  }
0x10: {  	s21 =	simm.s32 $0x6;
	s31 =	smax.u32 s5, $0x1;
	[dreg:$0xb] =	wrdreg s30  }
0x11: {  	s22 =	simm.s32 $0x0;
	p0 =	sgt.u32 s12, $0x8;
	[dreg:$0xc] =	wrdreg s31  }
.LBB2_1:
0x12: {  	s0 =	rddreg [dreg:$0x6]  }
0x13: {  	[tilespmem:s7], [sflag:$0x2] =	stream.linear.gather [hbm4b:s0+s6], $0xFA0, $0x38;
	[tilespmem:$0x1FF70] =	vst v63  }
0x14: {  	_ =	swait.ge [sflag:s17], $0xFA0  }
0x15: {  	[sflag:s17] =	ssyncset.done $0x0  }
0x16: {  	s19 =	rddreg [dreg:$0x7];
	[sflag:s17] =	ssyncadd.s32 $0xFFFFF060  }
0x17: {  	[spmem:s19] =	stream.linear.scatter [tilespmem:s7], [sflag:$0x2], $0xFA0, $0x38;
	[tilespmem:$0x1FF70] =	vst v63  }
0x18: {  	_ =	swait.ge [sflag:s17], $0xFA0  }
0x19: {  	[sflag:s17] =	ssyncset.done $0x0  }
0x1a: {  	s0 =	simm.s32 @!p0 $0x0;
	s4 =	rddreg [dreg:$0x8];
	[sflag:s17] =	ssyncadd.s32 $0xFFFFF060  }
0x1b: {  	[tilespmem:s9], [sflag:$0x2] =	stream.linear.gather @!p0 [hbm4b:s4+s0], $0xFA0, $0x38;
	[tilespmem:$0x1FF70] =	vst v63  }
0x1c: {  	s0 =	simm.s32 @!p0 $0x2  }
0x1d: {  	_ =	swait.ge @!p0 [sflag:s0], $0xFA0  }
0x1e: {  	[sflag:s0] =	ssyncset.done @!p0 $0x0  }
0x1f: {  	s4 =	rddreg [dreg:$0x9];
	[sflag:s0] =	ssyncadd.s32 @!p0 $0xFFFFF060  }
0x20: {  	[spmem:s4] =	stream.linear.scatter @!p0 [tilespmem:s9], [sflag:$0x2], $0xFA0, $0x38;
	[tilespmem:$0x1FF70] =	vst v63  }
0x21: {  	_ =	swait.ge @!p0 [sflag:s0], $0xFA0  }
0x22: {  	[sflag:s0] =	ssyncset.done @!p0 $0x0  }
0x23: {  	[sflag:s0] =	ssyncadd.s32 @!p0 $0xFFFFF060  }
0x24: {  	[bflag:$0x0] =	sbarrier.arrive $0xFFFF  }
0x25: {  	s23 =	rddreg [dreg:$0x4]  }
0x26: {  	[tilespmem:s6], [sflag:$0x1] =	stream.linear.gather [spmem:s23], $0x18700, $0x38;
	[tilespmem:$0x1FF70] =	vst v63  }
0x27: {  	_ =	swait.ge [sflag:s20], $0x18700  }
0x28: {  	[sflag:s20] =	ssyncset.done $0x0  }
0x29: {  	s25 =	simm.s32 $0x19F70;
	s31 =	simm.s32 $0x1BF70;
	[sflag:s20] =	ssyncadd.s32 $0xFFFE7900  }
0x2a: {  	s28 =	simm.s32 $0x0;
	s29 =	simm.s32 $0x1;
	_ =	strace $0x80000048  }
0x2b: {  	s30 =	simm.s32 $0x0;
	s0 =	simm.s32 $0x0;
	s24 =	rddreg [dreg:$0xa]  }
0x2c: {  	[tilespmem:s25], [sflag:$0x2] =	stream.linear.gather [hbm4b:s24+s6], $0x1000, $0x200038;
	[tilespmem:$0x1FF70] =	vst v63  }
0x2d: {  	s23 =	simm.s32 $0x0;
	s26 =	rddreg [dreg:$0xb];
	s24 =	simm.s32 $0x0  }
0x2e: {  	[tilespmem:s31], [sflag:$0x4] =	stream.linear.gather [hbm4b:s26+s6], $0x1000, $0x200038;
	[tilespmem:$0x1FF70] =	vst v63  }
0x2f: {  	s25 =	simm.s32 $0x0;
	s26 =	simm.s32 $0x1;
	_ =	strace $0x90000048  }
.LBB2_2:
0x30: {  	s31 =	sadd.s32 $0x1, s0  }
0x31: {  	p1 =	seq.s32 s31, $0x19  }
0x32: {  	s31 =	simm.s32 @p1 $0x0;
	p1 =	seq.s32 s30, $0x18  }
0x33: {  	p2 =	seq.s32 @!p1 s0, s31  }
0x34: {  	p3 =	por p2, p1  }
0x35: {  	s4 =	sshll.u32 @!p3 s31, $0x11  }
0x36: {  	s5 =	sand.u32 @!p3 $0x1, s29;
	_ =	strace @!p3 $0x80000049;
	s4 =	sor.u32 @!p3 s10, s4  }
0x37: {  	s13 =	simm.s32 @!p3 $0x0;
	s11 =	sshll.u32 @!p3 s5, $0xC;
	s4 =	sshrl.u32 @!p3 s4, $0x3  }
0x38: {  	s5 =	sor.u32 @!p3 $0x2, s5;
	s11 =	sadd.s32 @!p3 $0x19F70, s11;
	s12 =	sadd.s32 @!p3 s1, s4  }
0x39: {  	[tilespmem:s11], [sflag:s5] =	stream.linear.gather @!p3 [hbm4b:s12+s13], $0x1000, $0x200038;
	[tilespmem:$0x1FF70] =	vst v63  }
0x3a: {  	s5 =	sand.u32 @!p3 $0x1, s26  }
0x3b: {  	s4 =	sadd.s32 @!p3 s2, s4;
	_ =	strace @!p3 $0x90000049;
	s11 =	sshll.u32 @!p3 s5, $0xC  }
0x3c: {  	s5 =	sor.u32 @!p3 $0x4, s5;
	_ =	strace @!p3 $0x8000004A;
	s11 =	sadd.s32 @!p3 $0x1BF70, s11  }
0x3d: {  	[tilespmem:s11], [sflag:s5] =	stream.linear.gather @!p3 [hbm4b:s4+s13], $0x1000, $0x200038;
	[tilespmem:$0x1FF70] =	vst v63  }
0x3e: {  	s11 =	sand.u32 $0x1, s28;
	_ =	strace @!p3 $0x9000004A  }
0x3f: {  	s13 =	sor.u32 $0x2, s11;
	_ =	strace $0x8000004B  }
0x40: {  	s14 =	sand.u32 $0x1, s25;
	_ =	swait.ge [sflag:s13], $0x1000  }
0x41: {  	s8 =	smov.u32 s29;
	s15 =	sor.u32 $0x4, s14;
	[sflag:s13] =	ssyncset.done $0x0  }
0x42: {  	s19 =	sshll.u32 s14, $0xC;
	p2 =	por !p2, p1;
	[sflag:s13] =	ssyncadd.s32 $0xFFFFF000  }
0x43: {  	s12 =	simm.s32 $0x0;
	s5 =	sadd.s32 @!p3 $0x1, s29;
	_ =	strace $0x9000004B  }
0x44: {  	s4 =	sand.u32 $0x1, s24;
	s29 =	smov.u32 @p2 s5;
	_ =	strace $0x8000004C  }
0x45: {  	s5 =	simm.s32 $0x0;
	s16 =	sshll.u32 s4, $0xC;
	_ =	swait.ge [sflag:s15], $0x1000  }
0x46: {  	s11 =	sshll.u32 s11, $0xC;
	s5 =	simm.s32 @p2 $0x1;
	[sflag:s15] =	ssyncset.done $0x0  }
0x47: {  	s29 =	smov.u32 @p1 s8;
	s18 =	sadd.s32 $0x1DF70, s16;
	[sflag:s15] =	ssyncadd.s32 $0xFFFFF000  }
0x48: {  	s11 =	sadd.s32 $0x19FB0, s11;
	s5 =	simm.s32 @p1 $0x0;
	_ =	strace $0x9000004C  }
0x49: {  	s13 =	sadd.s32 $0x1DFB0, s16;
	s16 =	sadd.s32 $0x1BFB0, s19;
	_ =	strace $0x8000004D  }
.LBB2_3:
0x4a: {  	v11 =	vld [tilespmem:s11+$0x30]  }
0x4b: {  	v5 =	vld [tilespmem:s11+$0xFFFFFFD0]  }
0x4c: {  	v4 =	vld [tilespmem:s11+$0xFFFFFFE0]  }
0x4d: {  	v3 =	vld [tilespmem:s11+$0xFFFFFFF0]  }
0x4e: {  	v2 =	vld [tilespmem:s11+$0x0]  }
0x4f: {  	v1 =	vld [tilespmem:s11+$0x10]  }
0x50: {  	v0 =	vld [tilespmem:s11+$0x20]  }
0x51: {  	v12 =	vld [tilespmem:s11+$0xFFFFFFC0]  }
0x52: {  	v16 =	vld [tilespmem:s16+$0x30]  }
0x53: {  	v19 =	vld [tilespmem:s16+$0xFFFFFFC0]  }
0x54: {  	v20 =	vld [tilespmem:s16+$0xFFFFFFD0]  }
0x55: {  	v15 =	vld [tilespmem:s16+$0xFFFFFFE0]  }
0x56: {  	v14 =	vld [tilespmem:s16+$0xFFFFFFF0]  }
0x57: {  	v13 =	vld.idx.msk [tilespmem:v11+s6+$0x0], $0xffff  }
0x58: {  	v17 =	vld.idx.msk [tilespmem:v5+s6+$0x0], $0xffff  }
0x59: {  	v10 =	vld.idx.msk [tilespmem:v4+s6+$0x0], $0xffff  }
0x5a: {  	v9 =	vld.idx.msk [tilespmem:v3+s6+$0x0], $0xffff  }
0x5b: {  	v18 =	vld.idx.msk [tilespmem:v12+s6+$0x0], $0xffff  }
0x5c: {  	v8 =	vld.idx.msk [tilespmem:v2+s6+$0x0], $0xffff  }
0x5d: {  	v6 =	vld.idx.msk [tilespmem:v1+s6+$0x0], $0xffff  }
0x5e: {  	v7 =	vld.idx.msk [tilespmem:v0+s6+$0x0], $0xffff  }
0x5f: {  	vm0 =	vlt.f32 v16, v13;
	v13 =	vld [tilespmem:s16+$0x0]  }
0x60: {  	s14 =	simm.s32 $0x0;
	v16 =	vsel vm0, $0x1, v11;
	vm0 =	vlt.f32 v19, v18;
	v11 =	vld [tilespmem:s16+$0x10]  }
0x61: {  	s15 =	sadd.s32 $0x400, s11;
	s19 =	smov.u32 s13;
	s8 =	smov.u32 s16;
	[tilespmem:s13+$0x30] =	vst v16;
	v16 =	vsel vm0, $0x1, v12;
	vm0 =	vlt.f32 v20, v17;
	v12 =	vld [tilespmem:s16+$0x20]  }
.LBB2_4:
0x62: {  	v17 =	vld [tilespmem:s15+$0x30];
	s14 =	sadd.s32 $0x80, s14;
	[tilespmem:s19+$0xFFFFFFC0] =	vst v16;
	v16 =	vsel vm0, $0x1, v5;
	vm0 =	vlt.f32 v15, v10  }
0x63: {  	v5 =	vld [tilespmem:s15+$0xFFFFFFD0];
	p2 =	slt.u32 s14, $0x180;
	[tilespmem:s19+$0xFFFFFFD0] =	vst v16;
	v10 =	vsel vm0, $0x1, v4;
	vm0 =	vlt.f32 v14, v9  }
0x64: {  	v4 =	vld [tilespmem:s15+$0xFFFFFFE0];
	[tilespmem:s19+$0xFFFFFFE0] =	vst v10;
	v9 =	vsel vm0, $0x1, v3;
	vm0 =	vlt.f32 v13, v8  }
0x65: {  	v3 =	vld [tilespmem:s15+$0xFFFFFFF0];
	[tilespmem:s19+$0xFFFFFFF0] =	vst v9;
	v8 =	vsel vm0, $0x1, v2;
	vm0 =	vlt.f32 v11, v6  }
0x66: {  	v2 =	vld [tilespmem:s15+$0x0];
	[tilespmem:s19+$0x0] =	vst v8;
	v6 =	vsel vm0, $0x1, v1;
	vm0 =	vlt.f32 v12, v7  }
0x67: {  	v1 =	vld [tilespmem:s15+$0x10];
	[tilespmem:s19+$0x10] =	vst v6;
	v6 =	vsel vm0, $0x1, v0  }
0x68: {  	v0 =	vld [tilespmem:s15+$0x20];
	[tilespmem:s19+$0x20] =	vst v6  }
0x69: {  	v12 =	vld [tilespmem:s15+$0xFFFFFFC0]  }
0x6a: {  	s8 =	sadd.s32 $0x400, s8;
	v7 =	vld.idx.msk [tilespmem:v17+s6+$0x0], $0xffff  }
0x6b: {  	v11 =	vld [tilespmem:s8+$0x30]  }
0x6c: {  	v18 =	vld.idx.msk [tilespmem:v5+s6+$0x0], $0xffff  }
0x6d: {  	v10 =	vld.idx.msk [tilespmem:v4+s6+$0x0], $0xffff  }
0x6e: {  	v9 =	vld.idx.msk [tilespmem:v3+s6+$0x0], $0xffff  }
0x6f: {  	v8 =	vld.idx.msk [tilespmem:v2+s6+$0x0], $0xffff  }
0x70: {  	v6 =	vld.idx.msk [tilespmem:v1+s6+$0x0], $0xffff;
	vm0 =	vlt.f32 v11, v7  }
0x71: {  	s19 =	sadd.s32 $0x400, s19;
	v11 =	vld.idx.msk [tilespmem:v12+s6+$0x0], $0xffff;
	v13 =	vsel vm0, $0x1, v17  }
0x72: {  	v7 =	vld.idx.msk [tilespmem:v0+s6+$0x0], $0xffff;
	[tilespmem:s19+$0x30] =	vst v13  }
0x73: {  	v16 =	vld [tilespmem:s8+$0xFFFFFFC0]  }
0x74: {  	v17 =	vld [tilespmem:s8+$0xFFFFFFD0]  }
.Ltmp0:
0x75: {  	v15 =	vld [tilespmem:s8+$0xFFFFFFE0];
	(pc) =	sbr.rel @p2 .LBB2_4-.Ltmp0, $4  }
0x76: {  	v14 =	vld [tilespmem:s8+$0xFFFFFFF0]  }
0x77: {  	v13 =	vld [tilespmem:s8+$0x0]  }
0x78: {  	vm0 =	vlt.f32 v16, v11;
	v11 =	vld [tilespmem:s8+$0x10]  }
0x79: {  	s15 =	sadd.s32 $0x400, s15;
	v16 =	vsel vm0, $0x1, v12;
	vm0 =	vlt.f32 v17, v18;
	v12 =	vld [tilespmem:s8+$0x20]  }
0x7a: {  	[tilespmem:s19+$0xFFFFFFC0] =	vst v16;
	v5 =	vsel vm0, $0x1, v5;
	vm11 =	vlt.f32 v15, v10;
	s12 =	sadd.s32 $0x1, s12  }
0x7b: {  	[tilespmem:s19+$0xFFFFFFD0] =	vst v5;
	v4 =	vsel vm11, $0x1, v4;
	vm12 =	vlt.f32 v14, v9;
	p2 =	sne.s32 s12, $0x8  }
.Ltmp1:
0x7c: {  	[tilespmem:s19+$0xFFFFFFE0] =	vst v4;
	v3 =	vsel vm12, $0x1, v3;
	vm13 =	vlt.f32 v13, v8;
	(pc) =	sbr.rel @p2 .LBB2_3-.Ltmp1, $4  }
0x7d: {  	[tilespmem:s19+$0xFFFFFFF0] =	vst v3;
	v2 =	vsel vm13, $0x1, v2;
	vm14 =	vlt.f32 v11, v6  }
0x7e: {  	[tilespmem:s19+$0x0] =	vst v2;
	v1 =	vsel vm14, $0x1, v1;
	vm15 =	vlt.f32 v12, v7  }
0x7f: {  	[tilespmem:s19+$0x10] =	vst v1;
	v0 =	vsel vm15, $0x1, v0  }
0x80: {  	s13 =	sadd.s32 $0x80, s13;
	s16 =	sadd.s32 $0x80, s16;
	s11 =	sadd.s32 $0x80, s11;
	[tilespmem:s19+$0x20] =	vst v0  }
0x81: {  	p2 =	sne.s32 s0, s31  }
0x82: {  	p1 =	por p1, p2  }
0x83: {  	s0 =	sshll.u32 @p1 s0, $0x11  }
0x84: {  	_ =	strace $0x9000004D;
	s0 =	sor.u32 @p1 s10, s0  }
0x85: {  	p2 =	seq.s32 s30, $0x0;
	_ =	strace @p1 $0x8000004E;
	s0 =	sshrl.u32 @p1 s0, $0x3  }
0x86: {  	s4 =	sor.u32 @p1 $0x6, s4;
	s8 =	simm.s32 @p1 $0x0;
	s0 =	sadd.s32 @p1 s3, s0  }
0x87: {  	[hbm4b:s0+s8] =	stream.linear.scatter @p1 [tilespmem:s18], [sflag:s4], $0x1000, $0x200038;
	[tilespmem:$0x1FF70] =	vst v63  }
0x88: {  	s0 =	sand.u32 @!p2 $0x1, s23;
	_ =	strace @p1 $0x9000004E  }
0x89: {  	s0 =	sor.u32 @!p2 $0x6, s0;
	_ =	strace @!p2 $0x8000004F  }
0x8a: {  	s4 =	simm.s32 $0x1;
	_ =	swait.ge @!p2 [sflag:s0], $0x1000  }
0x8b: {  	s4 =	simm.s32 @!p1 $0x0;
	p1 =	sne.s32 s30, $0x0;
	[sflag:s0] =	ssyncset.done @!p2 $0x0  }
0x8c: {  	s30 =	sadd.s32 $0x1, s30;
	[sflag:s0] =	ssyncadd.s32 @!p2 $0xFFFFF000;
	s0 =	simm.s32 $0x1  }
0x8d: {  	s0 =	simm.s32 @!p1 $0x0;
	p1 =	sne.s32 s30, $0x19  }
.Ltmp2:
0x8e: {  	_ = 	snop;
	(pc) =	sbr.rel @p1 .LBB2_2-.Ltmp2, $4  }
0x8f: {  	_ = 	snop  }
0x90: {  	s26 =	sadd.s32 s26, s5  }
0x91: {  	s24 =	sadd.s32 s4, s24;
	s28 =	sadd.s32 s4, s28;
	s25 =	sadd.s32 s4, s25  }
0x92: {  	_ =	strace @!p2 $0x9000004F;
	s23 =	sadd.s32 s0, s23;
	s0 =	smov.u32 s31  }
0x93: {  	_ =	strace $0x80000050  }
0x94: {  	_ =	swait.ge [sflag:s21], $0x1000  }
0x95: {  	s22 =	sadd.s32 $0x1, s22;
	s0 =	rddreg [dreg:$0xc]  }
0x96: {  	p1 =	sne.s32 s22, s0  }
.Ltmp3:
0x97: {  	_ = 	snop;
	(pc) =	sbr.rel @p1 .LBB2_1-.Ltmp3, $4  }
0x98: {  	_ = 	snop  }
0x99: {  	[sflag:s21] =	ssyncset.done $0x0  }
0x9a: {  	[sflag:s21] =	ssyncadd.s32 $0xFFFFF000  }
0x9b: {  	_ =	strace $0x90000050  }
0x9c: {  	_ =	sfence.sel $0x180000  }
0x9d: {  	[bflag:$0x0] =	sbarrier.arrive $0xFFFF  }
0x9e: {  	_ =	strace $0x90000047  }
0x9f: {  	s0 =	stileid.u32;
	[bflag:$0x2] =	sbarrier.arrive $0xFFFF  }
0xa0: {  	p0 =	sne.s32 s0, $0x0;
	s0 =	rddreg [dreg:$0x5]  }
0xa1: {  	s0 =	sadd.s32 @!p0 $0x100000, s0  }
0xa2: {  	[sflag:s0] =	ssyncadd.tile.s32 @!p0 $0x1;
	_ =	shalt  }
.Lfunc_end2:
_tile_overlayer_lowered:
.L_overlay_start_2:
0xa3: {  	(tag) =	ssettag $0x2  }
0xa4: {  	s0 =	rddreg [dreg:$0x0];
	s2 =	stileid.u32  }
0xa5: {  	s1 =	rddreg [dreg:$0x1];
	p0 =	sne.s32 s2, $0x0  }
0xa6: {  	s3 =	rddreg [dreg:$0x2];
	[bflag:$0x3] =	sbarrier.arrive $0xFFFF;
	s2 =	simm.s32 @!p0 $0x1C02  }
0xa7: {  	[timem:s3], [sflag:s2] =	dma.local @!p0 [hbm:s0], s1  }
0xa8: {  	s0 =	simm.s32 @!p0 $0x2  }
0xa9: {  	_ =	swait.ge @!p0 [sflag:s0], s1  }
0xaa: {  	s1 =	ssub.s32 @!p0 $0x0, s1;
	[sflag:s0] =	ssyncset.done @!p0 $0x0  }
0xab: {  	[sflag:s0] =	ssyncadd.s32 @!p0 s1  }
0xac: {  	[bflag:$0x3] =	sbarrier.arrive $0xFFFF  }
0xad: {  	_ =	shalt  }

</sc_bundles>
